<compile_context>
chip_gen: v7x
topology: tpu7x:2x2x1
jax: 0.10.2.dev20260603
libtpu: 0.0.44.dev20260713+nightly
codegen_flags: <defaults>
</compile_context>

<pallas_src>
import jax
import jax.numpy as jnp
from jax import lax
from jax.experimental import pallas as pl
from jax.experimental.pallas import tpu as pltpu
from jax.experimental.pallas import tpu_sc as plsc


_NC, _NS, _LANES = 2, 16, 16
_NW = _NC * _NS
_K = 512
_FR = 904
_SC_N = 32768
_R = 8



def _tc_body(x_ref, cp_ref, nc_ref, hyd_ref, mol_ref, a0_ref, a1_ref, a2_ref,
             m_ref, w_ref, alias_ref, out_ref):
    R, L = x_ref.shape
    w = w_ref[...]
    iota = lax.broadcasted_iota(jnp.int32, (43, L), 0)
    for r in range(R):
        xi = x_ref[r:r + 1, :]
        cpi = cp_ref[r:r + 1, :]
        nci = nc_ref[r:r + 1, :]
        oh = ((iota == xi) | (iota == cpi + 32) | (iota == nci + 39))
        m = (m_ref[r:r + 1, :] != 0).astype(jnp.float32)
        notm = 1.0 - m
        ohf = oh.astype(jnp.float32) * notm

        def angrow(a_ref):
            a = a_ref[r:r + 1, :] / 180.0
            return jnp.where(jnp.isinf(a), 0.0, a) * notm

        a_mat = jnp.concatenate(
            [ohf,
             hyd_ref[r:r + 1, :] * notm,
             mol_ref[r:r + 1, :] * notm,
             angrow(a0_ref), angrow(a1_ref), angrow(a2_ref),
             jnp.broadcast_to(m, (9, L)),
             jnp.zeros((7, L), jnp.float32)], axis=0)

        h = lax.dot_general(a_mat, w, (((0,), (0,)), ((), ())),
                            preferred_element_type=jnp.float32)
        out_ref[pl.ds(r * L, L), :] = h



def _ftable_body(w_ref, am_ref, f_ref):
    c = lax.broadcasted_iota(jnp.int32, (_FR, 48), 0)
    k = lax.broadcasted_iota(jnp.int32, (_FR, 48), 1)
    oh = ((k == c // 28) | (k == 32 + (c % 28) // 4) | (k == 39 + c % 4))
    oh = oh & (c < 896)
    h = jnp.dot(oh.astype(jnp.float32), w_ref[...],
                preferred_element_type=jnp.float32)
    mr = jnp.sum(am_ref[...], axis=0, keepdims=True)
    ci = lax.broadcasted_iota(jnp.int32, (_FR, 1), 0)
    f_ref[...] = h + jnp.where(ci == 896, 1.0, 0.0) * mr


def _build_ftable(w48, atom_mask_embed):
    H = w48.shape[1]
    return pl.pallas_call(
        _ftable_body,
        in_specs=[pl.BlockSpec((48, H), lambda: (0, 0)),
                  pl.BlockSpec((9, H), lambda: (0, 0))],
        out_specs=pl.BlockSpec((_FR, H), lambda: (0, 0)),
        out_shape=jax.ShapeDtypeStruct((_FR, H), jnp.float32),
    )(w48, atom_mask_embed)



def _sc_body(f_hbm, x_hbm, cp_hbm, nc_hbm, hyd_hbm, mol_hbm,
             a0_hbm, a1_hbm, a2_hbm, m_hbm, wsm_hbm, out_hbm,
             xv, cpv, ncv, mv, hydv, molv, a0v, a1v, a2v,
             idx_v, rows_v, wsm_v, f_sh, sem):
    H = rows_v.shape[1]
    n = x_hbm.shape[0]
    sc_base = n - _SC_N
    per_w = _SC_N // _NW
    nch = per_w // _K
    sid = lax.axis_index("s")
    wid = sid * _NC + lax.axis_index("c")
    pltpu.sync_copy(wsm_hbm, wsm_v)

    @pl.when(sid == 0)
    def _stage():
        pltpu.sync_copy(f_hbm, f_sh)
    plsc.subcore_barrier()

    @pl.loop(0, nch)
    def _chunk(ch):
        base = sc_base + wid * per_w + ch * _K
        obase = base
        pltpu.sync_copy(x_hbm.at[pl.ds(base, _K)], xv)
        pltpu.sync_copy(cp_hbm.at[pl.ds(base, _K)], cpv)
        pltpu.sync_copy(nc_hbm.at[pl.ds(base, _K)], ncv)
        pltpu.sync_copy(m_hbm.at[pl.ds(base, _K)], mv)
        pltpu.sync_copy(hyd_hbm.at[pl.ds(base, _K)], hydv)
        pltpu.sync_copy(mol_hbm.at[pl.ds(base, _K)], molv)
        pltpu.sync_copy(a0_hbm.at[pl.ds(base, _K)], a0v)
        pltpu.sync_copy(a1_hbm.at[pl.ds(base, _K)], a1v)
        pltpu.sync_copy(a2_hbm.at[pl.ds(base, _K)], a2v)

        @pl.loop(0, _K // _LANES)
        def _grp(g):
            sl = pl.ds(g * _LANES, _LANES)
            m16 = mv[sl]
            cidx = xv[sl] * 28 + cpv[sl] * 4 + ncv[sl]
            idx_v[sl] = jnp.where(m16 != 0,
                                  jnp.full((_LANES,), 896, jnp.int32), cidx)
            zf = jnp.zeros((_LANES,), jnp.float32)
            of = jnp.full((_LANES,), 1.0, jnp.float32)
            notm = jnp.where(m16 == 0, of, zf)
            hydv[sl] = hydv[sl] * notm
            molv[sl] = molv[sl] * notm
            inf = jnp.full((_LANES,), jnp.inf, jnp.float32)
            for av in (a0v, a1v, a2v):
                a = av[sl] / 180.0
                a = jnp.where(jnp.abs(a) == inf, zf, a)
                av[sl] = a * notm

        pltpu.async_copy(f_sh.at[idx_v], rows_v, sem).wait()

        @pl.loop(0, _K // _LANES)
        def _grp2(g):
            sl = pl.ds(g * _LANES, _LANES)
            svec = [hydv[sl], molv[sl], a0v[sl], a1v[sl], a2v[sl]]
            wq = [[wsm_v[j, pl.ds(q * _LANES, _LANES)] for q in range(8)]
                  for j in range(5)]
            dn = lax.GatherDimensionNumbers(
                offset_dims=(), collapsed_slice_dims=(0,),
                start_index_map=(0,))

            @pl.loop(0, _LANES, unroll=2)
            def _tok(ti):
                t = g * _LANES + ti
                idxv = jnp.full((_LANES,), ti, jnp.int32)
                sp = [lax.gather(s, idxv[:, None], dn, (1,),
                                 mode=lax.GatherScatterMode.PROMISE_IN_BOUNDS)
                      for s in svec]
                for q in range(8):
                    sl2 = pl.ds(q * _LANES, _LANES)
                    rows_v[t, sl2] = (rows_v[t, sl2] + sp[0] * wq[0][q] +
                                      sp[1] * wq[1][q] + sp[2] * wq[2][q] +
                                      sp[3] * wq[3][q] + sp[4] * wq[4][q])

        pltpu.sync_copy(rows_v, out_hbm.at[pl.ds(obase, _K), :])


def kernel(x, chem_polar, net_charge, hydropathy, mol_mass, ang, mask_aa,
           token_embed, atom_mask_embed, chem_polar_embed, net_charge_embed,
           hydropathy_W, mol_mass_W, angle_W):
    B, L = x.shape
    H = token_embed.shape[1]
    N = B * L
    n_tc = N - _SC_N
    b_tc = n_tc // L
    G = b_tc // _R

    w48 = jnp.concatenate(
        [token_embed, chem_polar_embed, net_charge_embed,
         jnp.zeros((5, H), jnp.float32)], axis=0)
    w64 = jnp.concatenate(
        [token_embed, chem_polar_embed, net_charge_embed,
         hydropathy_W.T, mol_mass_W.T, angle_W.T, atom_mask_embed,
         jnp.zeros((7, H), jnp.float32)], axis=0)
    wsm = jnp.concatenate(
        [hydropathy_W.T, mol_mass_W.T, angle_W.T,
         jnp.zeros((3, H), jnp.float32)], axis=0)
    f = _build_ftable(w48, atom_mask_embed)

    xi = x.astype(jnp.int32)
    cpi = chem_polar.astype(jnp.int32)
    nci = net_charge.astype(jnp.int32)
    hyd2 = hydropathy[..., 0]
    mol2 = mol_mass[..., 0]
    a02 = ang[..., 0]
    a12 = ang[..., 1]
    a22 = ang[..., 2]
    m2 = mask_aa[..., 0]

    flat = lambda v: v.reshape(N)
    sc = pl.kernel(
        _sc_body,
        out_type=jax.ShapeDtypeStruct((N, H), jnp.float32),
        mesh=plsc.VectorSubcoreMesh(core_axis_name="c", subcore_axis_name="s",
                                    num_cores=_NC, num_subcores=_NS),
        scratch_types=[
            pltpu.VMEM((_K,), jnp.int32),
            pltpu.VMEM((_K,), jnp.int32),
            pltpu.VMEM((_K,), jnp.int32),
            pltpu.VMEM((_K,), jnp.int32),
            pltpu.VMEM((_K,), jnp.float32),
            pltpu.VMEM((_K,), jnp.float32),
            pltpu.VMEM((_K,), jnp.float32),
            pltpu.VMEM((_K,), jnp.float32),
            pltpu.VMEM((_K,), jnp.float32),
            pltpu.VMEM((_K,), jnp.int32),
            pltpu.VMEM((_K, H), jnp.float32),
            pltpu.VMEM((8, H), jnp.float32),
            pltpu.VMEM_SHARED((_FR, H), jnp.float32),
            pltpu.SemaphoreType.DMA,
        ],
    )
    out_sc = sc(f, flat(xi), flat(cpi), flat(nci),
                flat(hydropathy), flat(mol_mass),
                flat(ang[..., 0]), flat(ang[..., 1]), flat(ang[..., 2]),
                flat(mask_aa), wsm)

    tok = pl.BlockSpec((_R, L), lambda i: (i, 0))
    last_blk = N // _R - 1
    out = pl.pallas_call(
        _tc_body,
        grid=(G,),
        in_specs=[tok] * 9 + [
            pl.BlockSpec((64, H), lambda i: (0, 0)),
            pl.BlockSpec((_R, H), lambda i: (last_blk, 0)),
        ],
        out_specs=pl.BlockSpec((_R * L, H), lambda i: (i, 0)),
        out_shape=jax.ShapeDtypeStruct((N, H), jnp.float32),
        input_output_aliases={10: 0},
        compiler_params=pltpu.CompilerParams(
            dimension_semantics=("arbitrary",)),
    )(xi, cpi, nci, hyd2, mol2, a02, a12, a22, m2, w64, out_sc)
    return out.reshape(B, L, H)

# --- scband reference (transcript-rebuilt; emitter-appended) ---
"""Pipeline reference for scband-residue-feature-30511447671280 (READ-ONLY COPY).

The authoritative reference and input builder live on the scoring server;
editing this copy changes nothing except your own understanding.
"""

import jax, jax.numpy as jnp
import numpy as np


def setup_inputs(seed: int = 0) -> dict:
    key = jax.random.key(seed)
    ks = jax.random.split(key, 16)
    B, L, H = 1024, 512, 128
    inp = {}
    inp["x"] = jax.random.randint(ks[0], (B, L), 0, 32, dtype=jnp.int32).astype(jnp.int64) if False else jax.random.randint(ks[0], (B, L), 0, 32)
    inp["chem_polar"] = jax.random.randint(ks[1], (B, L), 0, 7)
    inp["net_charge"] = jax.random.randint(ks[2], (B, L), 0, 4)
    inp["hydropathy"] = jax.random.normal(ks[3], (B, L, 1), dtype=jnp.float32)
    inp["mol_mass"] = jax.random.uniform(ks[4], (B, L, 1), dtype=jnp.float32)
    inp["ang"] = jax.random.normal(ks[5], (B, L, 3), dtype=jnp.float32)
    inp["mask_aa"] = jax.random.randint(ks[6], (B, L, 1), 0, 2).astype(jnp.int32)
    # learned parameters sized per init_kwargs
    inp["token_embed"] = jax.random.normal(ks[7], (32, H), dtype=jnp.float32)
    inp["atom_mask_embed"] = jax.random.normal(ks[8], (9, H), dtype=jnp.float32)
    inp["chem_polar_embed"] = jax.random.normal(ks[9], (7, H), dtype=jnp.float32)
    inp["net_charge_embed"] = jax.random.normal(ks[10], (4, H), dtype=jnp.float32)
    inp["hydropathy_W"] = jax.random.normal(ks[11], (H, 1), dtype=jnp.float32) * 0.1
    inp["mol_mass_W"] = jax.random.normal(ks[12], (H, 1), dtype=jnp.float32) * 0.1
    inp["angle_W"] = jax.random.normal(ks[13], (H, 3), dtype=jnp.float32) * 0.1
    return inp


def reference(x, chem_polar, net_charge, hydropathy, mol_mass, ang, mask_aa,
              token_embed, atom_mask_embed, chem_polar_embed, net_charge_embed,
              hydropathy_W, mol_mass_W, angle_W):
    # 1. learnable embedding of residue type
    h = jnp.take(token_embed, x, axis=0)
    # mask embedding = sum over all 9 atom-mask rows
    mask_embedding = atom_mask_embed.sum(axis=0)
    # 2. prior residue property features (ModuleDict order: chem_polar, net_charge, hydropathy, mol_mass)
    h = h + jnp.take(chem_polar_embed, chem_polar, axis=0)
    h = h + jnp.take(net_charge_embed, net_charge, axis=0)
    h = h + hydropathy @ hydropathy_W.T  # Linear(1, H, bias=False)
    h = h + mol_mass @ mol_mass_W.T      # Linear(1, H, bias=False)
    # 3. learnable embedding of angles
    angle_data = ang / 180.0
    angle_mask = jnp.isinf(angle_data)
    angle_data = jnp.where(angle_mask, 0.0, angle_data)
    h = h + angle_data @ angle_W.T       # Linear(3, H, bias=False)
    # masked-residue overwrite: x[mask_aa.bool().squeeze(-1)] = mask_embedding
    m = mask_aa.astype(bool)[..., 0]
    h = jnp.where(m[..., None], mask_embedding[None, None, :], h)
    return h

if __name__ == "__main__":
    import jax
    _d = setup_inputs()
    print(jax.jit(kernel)(*tuple(_d.values())))

</pallas_src>

<mosaic_0001>
#map = affine_map<(d0, d1) -> (0, 0)>
#map1 = affine_map<(d0, d1) -> (0)>
module attributes {stable_mosaic.version = 14 : i64} {
  func.func @_sc_body(%arg0: i32, %arg1: i32, %arg2: memref<904x128xf32, #tpu.memory_space<hbm>>, %arg3: memref<524288xi32, #tpu.memory_space<hbm>>, %arg4: memref<524288xi32, #tpu.memory_space<hbm>>, %arg5: memref<524288xi32, #tpu.memory_space<hbm>>, %arg6: memref<524288xf32, #tpu.memory_space<hbm>>, %arg7: memref<524288xf32, #tpu.memory_space<hbm>>, %arg8: memref<524288xf32, #tpu.memory_space<hbm>>, %arg9: memref<524288xf32, #tpu.memory_space<hbm>>, %arg10: memref<524288xf32, #tpu.memory_space<hbm>>, %arg11: memref<524288xi32, #tpu.memory_space<hbm>>, %arg12: memref<8x128xf32, #tpu.memory_space<hbm>>, %arg13: memref<524288x128xf32, #tpu.memory_space<hbm>>, %arg14: memref<512xi32, #tpu.memory_space<vmem>>, %arg15: memref<512xi32, #tpu.memory_space<vmem>>, %arg16: memref<512xi32, #tpu.memory_space<vmem>>, %arg17: memref<512xi32, #tpu.memory_space<vmem>>, %arg18: memref<512xf32, #tpu.memory_space<vmem>>, %arg19: memref<512xf32, #tpu.memory_space<vmem>>, %arg20: memref<512xf32, #tpu.memory_space<vmem>>, %arg21: memref<512xf32, #tpu.memory_space<vmem>>, %arg22: memref<512xf32, #tpu.memory_space<vmem>>, %arg23: memref<512xi32, #tpu.memory_space<vmem>>, %arg24: memref<512x128xf32, #tpu.memory_space<vmem>>, %arg25: memref<8x128xf32, #tpu.memory_space<vmem>>, %arg26: memref<904x128xf32, #tpu.memory_space<vmem_shared>>, %arg27: memref<!tpu.dma_semaphore, #tpu.memory_space<semaphore_mem>>) attributes {dimension_semantics = [#tpu.dimension_semantics<core_parallel>, #tpu.dimension_semantics<subcore_parallel>], iteration_bounds = array<i64: 2, 16>, scalar_prefetch = 0 : i64, scratch_operands = 14 : i64, tpu.core_type = #tpu.core_type<sc_vector_subcore>, window_params = [{transform_indices = #map}, {transform_indices = #map1}, {transform_indices = #map1}, {transform_indices = #map1}, {transform_indices = #map1}, {transform_indices = #map1}, {transform_indices = #map1}, {transform_indices = #map1}, {transform_indices = #map1}, {transform_indices = #map1}, {transform_indices = #map}, {transform_indices = #map}]} {
    %mul3A = arith.constant 2 : i32
    %mul3A_0 = arith.muli %arg1, %mul3A : i32
    %add3A = arith.addi %mul3A_0, %arg0 : i32
    "tpu.region"() ({
      %run_scoped3A = tpu.sem_alloc : memref<!tpu.dma_semaphore, #tpu.memory_space<semaphore_mem>>
      tpu.enqueue_dma source(%arg12 : memref<8x128xf32, #tpu.memory_space<hbm>>) target(%arg25 : memref<8x128xf32, #tpu.memory_space<vmem>>) target_semaphore(%run_scoped3A : memref<!tpu.dma_semaphore, #tpu.memory_space<semaphore_mem>>)
      tpu.wait_dma2 semaphore(%run_scoped3A : memref<!tpu.dma_semaphore, #tpu.memory_space<semaphore_mem>>) src(%arg12 : memref<8x128xf32, #tpu.memory_space<hbm>>) dst(%arg25 : memref<8x128xf32, #tpu.memory_space<vmem>>)
      tpu.yield
    }) : () -> ()
    %eq3A = arith.constant 0 : i32
    %eq3A_1 = arith.cmpi eq, %arg1, %eq3A : i32
    %convert_element_type3A = arith.extui %eq3A_1 : i1 to i32
    %cond3A = arith.constant 0 : i32
    %cond3A_2 = arith.cmpi ne, %convert_element_type3A, %cond3A : i32
    scf.if %cond3A_2 {
      "tpu.region"() ({
        %run_scoped3A = tpu.sem_alloc : memref<!tpu.dma_semaphore, #tpu.memory_space<semaphore_mem>>
        tpu.enqueue_dma source(%arg2 : memref<904x128xf32, #tpu.memory_space<hbm>>) target(%arg26 : memref<904x128xf32, #tpu.memory_space<vmem_shared>>) target_semaphore(%run_scoped3A : memref<!tpu.dma_semaphore, #tpu.memory_space<semaphore_mem>>)
        tpu.wait_dma2 semaphore(%run_scoped3A : memref<!tpu.dma_semaphore, #tpu.memory_space<semaphore_mem>>) src(%arg2 : memref<904x128xf32, #tpu.memory_space<hbm>>) dst(%arg26 : memref<904x128xf32, #tpu.memory_space<vmem_shared>>)
        tpu.yield
      }) : () -> ()
    } else {
    }
    %barrier3A = arith.constant 0 : index
    tpu.barrier barrier_id(%barrier3A)
    %scan3A = arith.constant 0 : i32
    %scan3A_3 = arith.constant 2 : i32
    %scan3A_4 = arith.addi %scan3A, %scan3A_3 : i32
    %scan3A_5 = arith.constant 1 : i32
    scf.for %scan3A_7 = %scan3A to %scan3A_4 step %scan3A_5  : i32 {
      %mul3A_8 = arith.constant 1 : i32
      %mul3A_9 = arith.muli %scan3A_7, %mul3A_8 : i32
      %add3A_10 = arith.constant 0 : i32
      %add3A_11 = arith.addi %add3A_10, %mul3A_9 : i32
      %mul3A_12 = arith.constant 1024 : i32
      %mul3A_13 = arith.muli %add3A, %mul3A_12 : i32
      %add3A_14 = arith.constant 491520 : i32
      %add3A_15 = arith.addi %add3A_14, %mul3A_13 : i32
      %mul3A_16 = arith.constant 512 : i32
      %mul3A_17 = arith.muli %add3A_11, %mul3A_16 : i32
      %add3A_18 = arith.addi %add3A_15, %mul3A_17 : i32
      "tpu.region"() ({
        %run_scoped3A = tpu.sem_alloc : memref<!tpu.dma_semaphore, #tpu.memory_space<semaphore_mem>>
        %dma_start3A_33 = tpu.memref_slice %arg3[%add3A_18] : memref<524288xi32, #tpu.memory_space<hbm>> -> memref<512xi32, #tpu.memory_space<hbm>>
        %dma_start3A_34 = tpu.memref_slice %arg3[%add3A_18] : memref<524288xi32, #tpu.memory_space<hbm>> -> memref<512xi32, #tpu.memory_space<hbm>>
        tpu.enqueue_dma source(%dma_start3A_34 : memref<512xi32, #tpu.memory_space<hbm>>) target(%arg14 : memref<512xi32, #tpu.memory_space<vmem>>) target_semaphore(%run_scoped3A : memref<!tpu.dma_semaphore, #tpu.memory_space<semaphore_mem>>)
        %dma_wait3A_35 = tpu.memref_slice %arg3[%add3A_18] : memref<524288xi32, #tpu.memory_space<hbm>> -> memref<512xi32, #tpu.memory_space<hbm>>
        %dma_wait3A_36 = tpu.memref_slice %arg3[%add3A_18] : memref<524288xi32, #tpu.memory_space<hbm>> -> memref<512xi32, #tpu.memory_space<hbm>>
        tpu.wait_dma2 semaphore(%run_scoped3A : memref<!tpu.dma_semaphore, #tpu.memory_space<semaphore_mem>>) src(%dma_wait3A_36 : memref<512xi32, #tpu.memory_space<hbm>>) dst(%arg14 : memref<512xi32, #tpu.memory_space<vmem>>)
        tpu.yield
      }) : () -> ()
      "tpu.region"() ({
        %run_scoped3A = tpu.sem_alloc : memref<!tpu.dma_semaphore, #tpu.memory_space<semaphore_mem>>
        %dma_start3A_33 = tpu.memref_slice %arg4[%add3A_18] : memref<524288xi32, #tpu.memory_space<hbm>> -> memref<512xi32, #tpu.memory_space<hbm>>
        %dma_start3A_34 = tpu.memref_slice %arg4[%add3A_18] : memref<524288xi32, #tpu.memory_space<hbm>> -> memref<512xi32, #tpu.memory_space<hbm>>
        tpu.enqueue_dma source(%dma_start3A_34 : memref<512xi32, #tpu.memory_space<hbm>>) target(%arg15 : memref<512xi32, #tpu.memory_space<vmem>>) target_semaphore(%run_scoped3A : memref<!tpu.dma_semaphore, #tpu.memory_space<semaphore_mem>>)
        %dma_wait3A_35 = tpu.memref_slice %arg4[%add3A_18] : memref<524288xi32, #tpu.memory_space<hbm>> -> memref<512xi32, #tpu.memory_space<hbm>>
        %dma_wait3A_36 = tpu.memref_slice %arg4[%add3A_18] : memref<524288xi32, #tpu.memory_space<hbm>> -> memref<512xi32, #tpu.memory_space<hbm>>
        tpu.wait_dma2 semaphore(%run_scoped3A : memref<!tpu.dma_semaphore, #tpu.memory_space<semaphore_mem>>) src(%dma_wait3A_36 : memref<512xi32, #tpu.memory_space<hbm>>) dst(%arg15 : memref<512xi32, #tpu.memory_space<vmem>>)
        tpu.yield
      }) : () -> ()
      "tpu.region"() ({
        %run_scoped3A = tpu.sem_alloc : memref<!tpu.dma_semaphore, #tpu.memory_space<semaphore_mem>>
        %dma_start3A_33 = tpu.memref_slice %arg5[%add3A_18] : memref<524288xi32, #tpu.memory_space<hbm>> -> memref<512xi32, #tpu.memory_space<hbm>>
        %dma_start3A_34 = tpu.memref_slice %arg5[%add3A_18] : memref<524288xi32, #tpu.memory_space<hbm>> -> memref<512xi32, #tpu.memory_space<hbm>>
        tpu.enqueue_dma source(%dma_start3A_34 : memref<512xi32, #tpu.memory_space<hbm>>) target(%arg16 : memref<512xi32, #tpu.memory_space<vmem>>) target_semaphore(%run_scoped3A : memref<!tpu.dma_semaphore, #tpu.memory_space<semaphore_mem>>)
        %dma_wait3A_35 = tpu.memref_slice %arg5[%add3A_18] : memref<524288xi32, #tpu.memory_space<hbm>> -> memref<512xi32, #tpu.memory_space<hbm>>
        %dma_wait3A_36 = tpu.memref_slice %arg5[%add3A_18] : memref<524288xi32, #tpu.memory_space<hbm>> -> memref<512xi32, #tpu.memory_space<hbm>>
        tpu.wait_dma2 semaphore(%run_scoped3A : memref<!tpu.dma_semaphore, #tpu.memory_space<semaphore_mem>>) src(%dma_wait3A_36 : memref<512xi32, #tpu.memory_space<hbm>>) dst(%arg16 : memref<512xi32, #tpu.memory_space<vmem>>)
        tpu.yield
      }) : () -> ()
      "tpu.region"() ({
        %run_scoped3A = tpu.sem_alloc : memref<!tpu.dma_semaphore, #tpu.memory_space<semaphore_mem>>
        %dma_start3A_33 = tpu.memref_slice %arg11[%add3A_18] : memref<524288xi32, #tpu.memory_space<hbm>> -> memref<512xi32, #tpu.memory_space<hbm>>
        %dma_start3A_34 = tpu.memref_slice %arg11[%add3A_18] : memref<524288xi32, #tpu.memory_space<hbm>> -> memref<512xi32, #tpu.memory_space<hbm>>
        tpu.enqueue_dma source(%dma_start3A_34 : memref<512xi32, #tpu.memory_space<hbm>>) target(%arg17 : memref<512xi32, #tpu.memory_space<vmem>>) target_semaphore(%run_scoped3A : memref<!tpu.dma_semaphore, #tpu.memory_space<semaphore_mem>>)
        %dma_wait3A_35 = tpu.memref_slice %arg11[%add3A_18] : memref<524288xi32, #tpu.memory_space<hbm>> -> memref<512xi32, #tpu.memory_space<hbm>>
        %dma_wait3A_36 = tpu.memref_slice %arg11[%add3A_18] : memref<524288xi32, #tpu.memory_space<hbm>> -> memref<512xi32, #tpu.memory_space<hbm>>
        tpu.wait_dma2 semaphore(%run_scoped3A : memref<!tpu.dma_semaphore, #tpu.memory_space<semaphore_mem>>) src(%dma_wait3A_36 : memref<512xi32, #tpu.memory_space<hbm>>) dst(%arg17 : memref<512xi32, #tpu.memory_space<vmem>>)
        tpu.yield
      }) : () -> ()
      "tpu.region"() ({
        %run_scoped3A = tpu.sem_alloc : memref<!tpu.dma_semaphore, #tpu.memory_space<semaphore_mem>>
        %dma_start3A_33 = tpu.memref_slice %arg6[%add3A_18] : memref<524288xf32, #tpu.memory_space<hbm>> -> memref<512xf32, #tpu.memory_space<hbm>>
        %dma_start3A_34 = tpu.memref_slice %arg6[%add3A_18] : memref<524288xf32, #tpu.memory_space<hbm>> -> memref<512xf32, #tpu.memory_space<hbm>>
        tpu.enqueue_dma source(%dma_start3A_34 : memref<512xf32, #tpu.memory_space<hbm>>) target(%arg18 : memref<512xf32, #tpu.memory_space<vmem>>) target_semaphore(%run_scoped3A : memref<!tpu.dma_semaphore, #tpu.memory_space<semaphore_mem>>)
        %dma_wait3A_35 = tpu.memref_slice %arg6[%add3A_18] : memref<524288xf32, #tpu.memory_space<hbm>> -> memref<512xf32, #tpu.memory_space<hbm>>
        %dma_wait3A_36 = tpu.memref_slice %arg6[%add3A_18] : memref<524288xf32, #tpu.memory_space<hbm>> -> memref<512xf32, #tpu.memory_space<hbm>>
        tpu.wait_dma2 semaphore(%run_scoped3A : memref<!tpu.dma_semaphore, #tpu.memory_space<semaphore_mem>>) src(%dma_wait3A_36 : memref<512xf32, #tpu.memory_space<hbm>>) dst(%arg18 : memref<512xf32, #tpu.memory_space<vmem>>)
        tpu.yield
      }) : () -> ()
      "tpu.region"() ({
        %run_scoped3A = tpu.sem_alloc : memref<!tpu.dma_semaphore, #tpu.memory_space<semaphore_mem>>
        %dma_start3A_33 = tpu.memref_slice %arg7[%add3A_18] : memref<524288xf32, #tpu.memory_space<hbm>> -> memref<512xf32, #tpu.memory_space<hbm>>
        %dma_start3A_34 = tpu.memref_slice %arg7[%add3A_18] : memref<524288xf32, #tpu.memory_space<hbm>> -> memref<512xf32, #tpu.memory_space<hbm>>
        tpu.enqueue_dma source(%dma_start3A_34 : memref<512xf32, #tpu.memory_space<hbm>>) target(%arg19 : memref<512xf32, #tpu.memory_space<vmem>>) target_semaphore(%run_scoped3A : memref<!tpu.dma_semaphore, #tpu.memory_space<semaphore_mem>>)
        %dma_wait3A_35 = tpu.memref_slice %arg7[%add3A_18] : memref<524288xf32, #tpu.memory_space<hbm>> -> memref<512xf32, #tpu.memory_space<hbm>>
        %dma_wait3A_36 = tpu.memref_slice %arg7[%add3A_18] : memref<524288xf32, #tpu.memory_space<hbm>> -> memref<512xf32, #tpu.memory_space<hbm>>
        tpu.wait_dma2 semaphore(%run_scoped3A : memref<!tpu.dma_semaphore, #tpu.memory_space<semaphore_mem>>) src(%dma_wait3A_36 : memref<512xf32, #tpu.memory_space<hbm>>) dst(%arg19 : memref<512xf32, #tpu.memory_space<vmem>>)
        tpu.yield
      }) : () -> ()
      "tpu.region"() ({
        %run_scoped3A = tpu.sem_alloc : memref<!tpu.dma_semaphore, #tpu.memory_space<semaphore_mem>>
        %dma_start3A_33 = tpu.memref_slice %arg8[%add3A_18] : memref<524288xf32, #tpu.memory_space<hbm>> -> memref<512xf32, #tpu.memory_space<hbm>>
        %dma_start3A_34 = tpu.memref_slice %arg8[%add3A_18] : memref<524288xf32, #tpu.memory_space<hbm>> -> memref<512xf32, #tpu.memory_space<hbm>>
        tpu.enqueue_dma source(%dma_start3A_34 : memref<512xf32, #tpu.memory_space<hbm>>) target(%arg20 : memref<512xf32, #tpu.memory_space<vmem>>) target_semaphore(%run_scoped3A : memref<!tpu.dma_semaphore, #tpu.memory_space<semaphore_mem>>)
        %dma_wait3A_35 = tpu.memref_slice %arg8[%add3A_18] : memref<524288xf32, #tpu.memory_space<hbm>> -> memref<512xf32, #tpu.memory_space<hbm>>
        %dma_wait3A_36 = tpu.memref_slice %arg8[%add3A_18] : memref<524288xf32, #tpu.memory_space<hbm>> -> memref<512xf32, #tpu.memory_space<hbm>>
        tpu.wait_dma2 semaphore(%run_scoped3A : memref<!tpu.dma_semaphore, #tpu.memory_space<semaphore_mem>>) src(%dma_wait3A_36 : memref<512xf32, #tpu.memory_space<hbm>>) dst(%arg20 : memref<512xf32, #tpu.memory_space<vmem>>)
        tpu.yield
      }) : () -> ()
      "tpu.region"() ({
        %run_scoped3A = tpu.sem_alloc : memref<!tpu.dma_semaphore, #tpu.memory_space<semaphore_mem>>
        %dma_start3A_33 = tpu.memref_slice %arg9[%add3A_18] : memref<524288xf32, #tpu.memory_space<hbm>> -> memref<512xf32, #tpu.memory_space<hbm>>
        %dma_start3A_34 = tpu.memref_slice %arg9[%add3A_18] : memref<524288xf32, #tpu.memory_space<hbm>> -> memref<512xf32, #tpu.memory_space<hbm>>
        tpu.enqueue_dma source(%dma_start3A_34 : memref<512xf32, #tpu.memory_space<hbm>>) target(%arg21 : memref<512xf32, #tpu.memory_space<vmem>>) target_semaphore(%run_scoped3A : memref<!tpu.dma_semaphore, #tpu.memory_space<semaphore_mem>>)
        %dma_wait3A_35 = tpu.memref_slice %arg9[%add3A_18] : memref<524288xf32, #tpu.memory_space<hbm>> -> memref<512xf32, #tpu.memory_space<hbm>>
        %dma_wait3A_36 = tpu.memref_slice %arg9[%add3A_18] : memref<524288xf32, #tpu.memory_space<hbm>> -> memref<512xf32, #tpu.memory_space<hbm>>
        tpu.wait_dma2 semaphore(%run_scoped3A : memref<!tpu.dma_semaphore, #tpu.memory_space<semaphore_mem>>) src(%dma_wait3A_36 : memref<512xf32, #tpu.memory_space<hbm>>) dst(%arg21 : memref<512xf32, #tpu.memory_space<vmem>>)
        tpu.yield
      }) : () -> ()
      "tpu.region"() ({
        %run_scoped3A = tpu.sem_alloc : memref<!tpu.dma_semaphore, #tpu.memory_space<semaphore_mem>>
        %dma_start3A_33 = tpu.memref_slice %arg10[%add3A_18] : memref<524288xf32, #tpu.memory_space<hbm>> -> memref<512xf32, #tpu.memory_space<hbm>>
        %dma_start3A_34 = tpu.memref_slice %arg10[%add3A_18] : memref<524288xf32, #tpu.memory_space<hbm>> -> memref<512xf32, #tpu.memory_space<hbm>>
        tpu.enqueue_dma source(%dma_start3A_34 : memref<512xf32, #tpu.memory_space<hbm>>) target(%arg22 : memref<512xf32, #tpu.memory_space<vmem>>) target_semaphore(%run_scoped3A : memref<!tpu.dma_semaphore, #tpu.memory_space<semaphore_mem>>)
        %dma_wait3A_35 = tpu.memref_slice %arg10[%add3A_18] : memref<524288xf32, #tpu.memory_space<hbm>> -> memref<512xf32, #tpu.memory_space<hbm>>
        %dma_wait3A_36 = tpu.memref_slice %arg10[%add3A_18] : memref<524288xf32, #tpu.memory_space<hbm>> -> memref<512xf32, #tpu.memory_space<hbm>>
        tpu.wait_dma2 semaphore(%run_scoped3A : memref<!tpu.dma_semaphore, #tpu.memory_space<semaphore_mem>>) src(%dma_wait3A_36 : memref<512xf32, #tpu.memory_space<hbm>>) dst(%arg22 : memref<512xf32, #tpu.memory_space<vmem>>)
        tpu.yield
      }) : () -> ()
      %scan3A_19 = arith.constant 0 : i32
      %scan3A_20 = arith.constant 32 : i32
      %scan3A_21 = arith.addi %scan3A_19, %scan3A_20 : i32
      %scan3A_22 = arith.constant 1 : i32
      scf.for %scan3A_33 = %scan3A_19 to %scan3A_21 step %scan3A_22  : i32 {
        %mul3A_34 = arith.constant 1 : i32
        %mul3A_35 = arith.muli %scan3A_33, %mul3A_34 : i32
        %add3A_36 = arith.constant 0 : i32
        %add3A_37 = arith.addi %add3A_36, %mul3A_35 : i32
        %mul3A_38 = arith.constant 16 : i32
        %mul3A_39 = arith.muli %add3A_37, %mul3A_38 : i32
        %get3A = arith.index_cast %mul3A_39 : i32 to index
        %get3A_40 = tpu.vector_load %arg17[%get3A] {strides = array<i32>} : memref<512xi32, #tpu.memory_space<vmem>>, vector<16xi32>,
        %get3A_41 = vector.shape_cast %get3A_40 : vector<16xi32> to vector<16xi32>
        %get3A_42 = arith.index_cast %mul3A_39 : i32 to index
        %get3A_43 = tpu.vector_load %arg14[%get3A_42] {strides = array<i32>} : memref<512xi32, #tpu.memory_space<vmem>>, vector<16xi32>,
        %get3A_44 = vector.shape_cast %get3A_43 : vector<16xi32> to vector<16xi32>
        %mul3A_45 = arith.constant 28 : i32
        %mul3A_46 = vector.broadcast %mul3A_45 : i32 to vector<16xi32>
        %mul3A_47 = arith.muli %get3A_44, %mul3A_46 : vector<16xi32>
        %get3A_48 = arith.index_cast %mul3A_39 : i32 to index
        %get3A_49 = tpu.vector_load %arg15[%get3A_48] {strides = array<i32>} : memref<512xi32, #tpu.memory_space<vmem>>, vector<16xi32>,
        %get3A_50 = vector.shape_cast %get3A_49 : vector<16xi32> to vector<16xi32>
        %mul3A_51 = arith.constant 4 : i32
        %mul3A_52 = vector.broadcast %mul3A_51 : i32 to vector<16xi32>
        %mul3A_53 = arith.muli %get3A_50, %mul3A_52 : vector<16xi32>
        %add3A_54 = arith.addi %mul3A_47, %mul3A_53 : vector<16xi32>
        %get3A_55 = arith.index_cast %mul3A_39 : i32 to index
        %get3A_56 = tpu.vector_load %arg16[%get3A_55] {strides = array<i32>} : memref<512xi32, #tpu.memory_space<vmem>>, vector<16xi32>,
        %get3A_57 = vector.shape_cast %get3A_56 : vector<16xi32> to vector<16xi32>
        %add3A_58 = arith.addi %add3A_54, %get3A_57 : vector<16xi32>
        %ne3A = arith.constant 0 : i32
        %ne3A_59 = vector.broadcast %ne3A : i32 to vector<16xi32>
        %ne3A_60 = arith.cmpi ne, %get3A_41, %ne3A_59 : vector<16xi32>
        %broadcast_in_dim3A = arith.constant 896 : i32
        %broadcast_in_dim3A_61 = vector.broadcast %broadcast_in_dim3A : i32 to vector<16xi32>
        %select_n3A = arith.select %ne3A_60, %broadcast_in_dim3A_61, %add3A_58 : vector<16xi1>, vector<16xi32>
        %swap3A = arith.index_cast %mul3A_39 : i32 to index
        %swap3A_62 = tpu.vector_load %arg23[%swap3A] {strides = array<i32>} : memref<512xi32, #tpu.memory_space<vmem>>, vector<16xi32>,
        %swap3A_63 = vector.shape_cast %swap3A_62 : vector<16xi32> to vector<16xi32>
        %swap3A_64 = vector.shape_cast %select_n3A : vector<16xi32> to vector<16xi32>
        tpu.vector_store %arg23[%swap3A], %swap3A_64 {strides = array<i32>} : memref<512xi32, #tpu.memory_space<vmem>>, vector<16xi32>,
        %broadcast_in_dim3A_65 = arith.constant 0.000000e+00 : f32
        %broadcast_in_dim3A_66 = vector.broadcast %broadcast_in_dim3A_65 : f32 to vector<16xf32>
        %broadcast_in_dim3A_67 = arith.constant 1.000000e+00 : f32
        %broadcast_in_dim3A_68 = vector.broadcast %broadcast_in_dim3A_67 : f32 to vector<16xf32>
        %eq3A_69 = arith.constant 0 : i32
        %eq3A_70 = vector.broadcast %eq3A_69 : i32 to vector<16xi32>
        %eq3A_71 = arith.cmpi eq, %get3A_41, %eq3A_70 : vector<16xi32>
        %select_n3A_72 = arith.select %eq3A_71, %broadcast_in_dim3A_68, %broadcast_in_dim3A_66 : vector<16xi1>, vector<16xf32>
        %get3A_73 = arith.index_cast %mul3A_39 : i32 to index
        %get3A_74 = tpu.vector_load %arg18[%get3A_73] {strides = array<i32>} : memref<512xf32, #tpu.memory_space<vmem>>, vector<16xf32>,
        %get3A_75 = vector.shape_cast %get3A_74 : vector<16xf32> to vector<16xf32>
        %mul3A_76 = arith.mulf %get3A_75, %select_n3A_72 : vector<16xf32>
        %swap3A_77 = arith.index_cast %mul3A_39 : i32 to index
        %swap3A_78 = tpu.vector_load %arg18[%swap3A_77] {strides = array<i32>} : memref<512xf32, #tpu.memory_space<vmem>>, vector<16xf32>,
        %swap3A_79 = vector.shape_cast %swap3A_78 : vector<16xf32> to vector<16xf32>
        %swap3A_80 = vector.shape_cast %mul3A_76 : vector<16xf32> to vector<16xf32>
        tpu.vector_store %arg18[%swap3A_77], %swap3A_80 {strides = array<i32>} : memref<512xf32, #tpu.memory_space<vmem>>, vector<16xf32>,
        %get3A_81 = arith.index_cast %mul3A_39 : i32 to index
        %get3A_82 = tpu.vector_load %arg19[%get3A_81] {strides = array<i32>} : memref<512xf32, #tpu.memory_space<vmem>>, vector<16xf32>,
        %get3A_83 = vector.shape_cast %get3A_82 : vector<16xf32> to vector<16xf32>
        %mul3A_84 = arith.mulf %get3A_83, %select_n3A_72 : vector<16xf32>
        %swap3A_85 = arith.index_cast %mul3A_39 : i32 to index
        %swap3A_86 = tpu.vector_load %arg19[%swap3A_85] {strides = array<i32>} : memref<512xf32, #tpu.memory_space<vmem>>, vector<16xf32>,
        %swap3A_87 = vector.shape_cast %swap3A_86 : vector<16xf32> to vector<16xf32>
        %swap3A_88 = vector.shape_cast %mul3A_84 : vector<16xf32> to vector<16xf32>
        tpu.vector_store %arg19[%swap3A_85], %swap3A_88 {strides = array<i32>} : memref<512xf32, #tpu.memory_space<vmem>>, vector<16xf32>,
        %broadcast_in_dim3A_89 = arith.constant 0x7F800000 : f32
        %broadcast_in_dim3A_90 = vector.broadcast %broadcast_in_dim3A_89 : f32 to vector<16xf32>
        %get3A_91 = arith.index_cast %mul3A_39 : i32 to index
        %get3A_92 = tpu.vector_load %arg20[%get3A_91] {strides = array<i32>} : memref<512xf32, #tpu.memory_space<vmem>>, vector<16xf32>,
        %get3A_93 = vector.shape_cast %get3A_92 : vector<16xf32> to vector<16xf32>
        %div3A = arith.constant 1.800000e+02 : f32
        %div3A_94 = vector.broadcast %div3A : f32 to vector<16xf32>
        %div3A_95 = arith.divf %get3A_93, %div3A_94 : vector<16xf32>
        %abs3A = math.absf %div3A_95 : vector<16xf32>
        %eq3A_96 = arith.cmpf oeq, %abs3A, %broadcast_in_dim3A_90 : vector<16xf32>
        %select_n3A_97 = arith.select %eq3A_96, %broadcast_in_dim3A_66, %div3A_95 : vector<16xi1>, vector<16xf32>
        %mul3A_98 = arith.mulf %select_n3A_97, %select_n3A_72 : vector<16xf32>
        %swap3A_99 = arith.index_cast %mul3A_39 : i32 to index
        %swap3A_100 = tpu.vector_load %arg20[%swap3A_99] {strides = array<i32>} : memref<512xf32, #tpu.memory_space<vmem>>, vector<16xf32>,
        %swap3A_101 = vector.shape_cast %swap3A_100 : vector<16xf32> to vector<16xf32>
        %swap3A_102 = vector.shape_cast %mul3A_98 : vector<16xf32> to vector<16xf32>
        tpu.vector_store %arg20[%swap3A_99], %swap3A_102 {strides = array<i32>} : memref<512xf32, #tpu.memory_space<vmem>>, vector<16xf32>,
        %get3A_103 = arith.index_cast %mul3A_39 : i32 to index
        %get3A_104 = tpu.vector_load %arg21[%get3A_103] {strides = array<i32>} : memref<512xf32, #tpu.memory_space<vmem>>, vector<16xf32>,
        %get3A_105 = vector.shape_cast %get3A_104 : vector<16xf32> to vector<16xf32>
        %div3A_106 = arith.constant 1.800000e+02 : f32
        %div3A_107 = vector.broadcast %div3A_106 : f32 to vector<16xf32>
        %div3A_108 = arith.divf %get3A_105, %div3A_107 : vector<16xf32>
        %abs3A_109 = math.absf %div3A_108 : vector<16xf32>
        %eq3A_110 = arith.cmpf oeq, %abs3A_109, %broadcast_in_dim3A_90 : vector<16xf32>
        %select_n3A_111 = arith.select %eq3A_110, %broadcast_in_dim3A_66, %div3A_108 : vector<16xi1>, vector<16xf32>
        %mul3A_112 = arith.mulf %select_n3A_111, %select_n3A_72 : vector<16xf32>
        %swap3A_113 = arith.index_cast %mul3A_39 : i32 to index
        %swap3A_114 = tpu.vector_load %arg21[%swap3A_113] {strides = array<i32>} : memref<512xf32, #tpu.memory_space<vmem>>, vector<16xf32>,
        %swap3A_115 = vector.shape_cast %swap3A_114 : vector<16xf32> to vector<16xf32>
        %swap3A_116 = vector.shape_cast %mul3A_112 : vector<16xf32> to vector<16xf32>
        tpu.vector_store %arg21[%swap3A_113], %swap3A_116 {strides = array<i32>} : memref<512xf32, #tpu.memory_space<vmem>>, vector<16xf32>,
        %get3A_117 = arith.index_cast %mul3A_39 : i32 to index
        %get3A_118 = tpu.vector_load %arg22[%get3A_117] {strides = array<i32>} : memref<512xf32, #tpu.memory_space<vmem>>, vector<16xf32>,
        %get3A_119 = vector.shape_cast %get3A_118 : vector<16xf32> to vector<16xf32>
        %div3A_120 = arith.constant 1.800000e+02 : f32
        %div3A_121 = vector.broadcast %div3A_120 : f32 to vector<16xf32>
        %div3A_122 = arith.divf %get3A_119, %div3A_121 : vector<16xf32>
        %abs3A_123 = math.absf %div3A_122 : vector<16xf32>
        %eq3A_124 = arith.cmpf oeq, %abs3A_123, %broadcast_in_dim3A_90 : vector<16xf32>
        %select_n3A_125 = arith.select %eq3A_124, %broadcast_in_dim3A_66, %div3A_122 : vector<16xi1>, vector<16xf32>
        %mul3A_126 = arith.mulf %select_n3A_125, %select_n3A_72 : vector<16xf32>
        %swap3A_127 = arith.index_cast %mul3A_39 : i32 to index
        %swap3A_128 = tpu.vector_load %arg22[%swap3A_127] {strides = array<i32>} : memref<512xf32, #tpu.memory_space<vmem>>, vector<16xf32>,
        %swap3A_129 = vector.shape_cast %swap3A_128 : vector<16xf32> to vector<16xf32>
        %swap3A_130 = vector.shape_cast %mul3A_126 : vector<16xf32> to vector<16xf32>
        tpu.vector_store %arg22[%swap3A_127], %swap3A_130 {strides = array<i32>} : memref<512xf32, #tpu.memory_space<vmem>>, vector<16xf32>,
      }
      %scan3A_23 = arith.constant 32 : i32
      %dma_start3A = arith.constant 0 : i32
      %dma_start3A_24 = arith.constant 0 : i32
      %dma_start3A_25 = tpu.memref_slice %arg26[%dma_start3A, %dma_start3A_24] : memref<904x128xf32, #tpu.memory_space<vmem_shared>> -> memref<904x128xf32, #tpu.memory_space<vmem_shared>>
      tpu.enqueue_indirect_dma source(%dma_start3A_25 : memref<904x128xf32, #tpu.memory_space<vmem_shared>>) target(%arg24 : memref<512x128xf32, #tpu.memory_space<vmem>>) offsets(%arg23 : memref<512xi32, #tpu.memory_space<vmem>>) semaphore(%arg27 : memref<!tpu.dma_semaphore, #tpu.memory_space<semaphore_mem>>)
      %dma_wait3A = arith.constant 0 : i32
      %dma_wait3A_26 = arith.constant 0 : i32
      %dma_wait3A_27 = tpu.memref_slice %arg26[%dma_wait3A, %dma_wait3A_26] : memref<904x128xf32, #tpu.memory_space<vmem_shared>> -> memref<904x128xf32, #tpu.memory_space<vmem_shared>>
      tpu.wait_indirect_dma semaphore(%arg27 : memref<!tpu.dma_semaphore, #tpu.memory_space<semaphore_mem>>) src(%dma_wait3A_27 : memref<904x128xf32, #tpu.memory_space<vmem_shared>>) dst(%arg24 : memref<512x128xf32, #tpu.memory_space<vmem>>)
      %scan3A_28 = arith.constant 0 : i32
      %scan3A_29 = arith.constant 32 : i32
      %scan3A_30 = arith.addi %scan3A_28, %scan3A_29 : i32
      %scan3A_31 = arith.constant 1 : i32
      scf.for %scan3A_33 = %scan3A_28 to %scan3A_30 step %scan3A_31  : i32 {
        %mul3A_34 = arith.constant 1 : i32
        %mul3A_35 = arith.muli %scan3A_33, %mul3A_34 : i32
        %add3A_36 = arith.constant 0 : i32
        %add3A_37 = arith.addi %add3A_36, %mul3A_35 : i32
        %mul3A_38 = arith.constant 16 : i32
        %mul3A_39 = arith.muli %add3A_37, %mul3A_38 : i32
        %get3A = arith.index_cast %mul3A_39 : i32 to index
        %get3A_40 = tpu.vector_load %arg18[%get3A] {strides = array<i32>} : memref<512xf32, #tpu.memory_space<vmem>>, vector<16xf32>,
        %get3A_41 = vector.shape_cast %get3A_40 : vector<16xf32> to vector<16xf32>
        %get3A_42 = arith.index_cast %mul3A_39 : i32 to index
        %get3A_43 = tpu.vector_load %arg19[%get3A_42] {strides = array<i32>} : memref<512xf32, #tpu.memory_space<vmem>>, vector<16xf32>,
        %get3A_44 = vector.shape_cast %get3A_43 : vector<16xf32> to vector<16xf32>
        %get3A_45 = arith.index_cast %mul3A_39 : i32 to index
        %get3A_46 = tpu.vector_load %arg20[%get3A_45] {strides = array<i32>} : memref<512xf32, #tpu.memory_space<vmem>>, vector<16xf32>,
        %get3A_47 = vector.shape_cast %get3A_46 : vector<16xf32> to vector<16xf32>
        %get3A_48 = arith.index_cast %mul3A_39 : i32 to index
        %get3A_49 = tpu.vector_load %arg21[%get3A_48] {strides = array<i32>} : memref<512xf32, #tpu.memory_space<vmem>>, vector<16xf32>,
        %get3A_50 = vector.shape_cast %get3A_49 : vector<16xf32> to vector<16xf32>
        %get3A_51 = arith.index_cast %mul3A_39 : i32 to index
        %get3A_52 = tpu.vector_load %arg22[%get3A_51] {strides = array<i32>} : memref<512xf32, #tpu.memory_space<vmem>>, vector<16xf32>,
        %get3A_53 = vector.shape_cast %get3A_52 : vector<16xf32> to vector<16xf32>
        %get3A_54 = arith.constant 0 : i32
        %get3A_55 = arith.index_cast %get3A_54 : i32 to index
        %get3A_56 = arith.constant 0 : index
        %get3A_57 = tpu.vector_load %arg25[%get3A_55, %get3A_56] {strides = array<i32>} : memref<8x128xf32, #tpu.memory_space<vmem>>, vector<1x16xf32>,
        %get3A_58 = vector.shape_cast %get3A_57 : vector<1x16xf32> to vector<16xf32>
        %get3A_59 = arith.constant 0 : i32
        %get3A_60 = arith.index_cast %get3A_59 : i32 to index
        %get3A_61 = arith.constant 16 : index
        %get3A_62 = tpu.vector_load %arg25[%get3A_60, %get3A_61] {strides = array<i32>} : memref<8x128xf32, #tpu.memory_space<vmem>>, vector<1x16xf32>,
        %get3A_63 = vector.shape_cast %get3A_62 : vector<1x16xf32> to vector<16xf32>
        %get3A_64 = arith.constant 0 : i32
        %get3A_65 = arith.index_cast %get3A_64 : i32 to index
        %get3A_66 = arith.constant 32 : index
        %get3A_67 = tpu.vector_load %arg25[%get3A_65, %get3A_66] {strides = array<i32>} : memref<8x128xf32, #tpu.memory_space<vmem>>, vector<1x16xf32>,
        %get3A_68 = vector.shape_cast %get3A_67 : vector<1x16xf32> to vector<16xf32>
        %get3A_69 = arith.constant 0 : i32
        %get3A_70 = arith.index_cast %get3A_69 : i32 to index
        %get3A_71 = arith.constant 48 : index
        %get3A_72 = tpu.vector_load %arg25[%get3A_70, %get3A_71] {strides = array<i32>} : memref<8x128xf32, #tpu.memory_space<vmem>>, vector<1x16xf32>,
        %get3A_73 = vector.shape_cast %get3A_72 : vector<1x16xf32> to vector<16xf32>
        %get3A_74 = arith.constant 0 : i32
        %get3A_75 = arith.index_cast %get3A_74 : i32 to index
        %get3A_76 = arith.constant 64 : index
        %get3A_77 = tpu.vector_load %arg25[%get3A_75, %get3A_76] {strides = array<i32>} : memref<8x128xf32, #tpu.memory_space<vmem>>, vector<1x16xf32>,
        %get3A_78 = vector.shape_cast %get3A_77 : vector<1x16xf32> to vector<16xf32>
        %get3A_79 = arith.constant 0 : i32
        %get3A_80 = arith.index_cast %get3A_79 : i32 to index
        %get3A_81 = arith.constant 80 : index
        %get3A_82 = tpu.vector_load %arg25[%get3A_80, %get3A_81] {strides = array<i32>} : memref<8x128xf32, #tpu.memory_space<vmem>>, vector<1x16xf32>,
        %get3A_83 = vector.shape_cast %get3A_82 : vector<1x16xf32> to vector<16xf32>
        %get3A_84 = arith.constant 0 : i32
        %get3A_85 = arith.index_cast %get3A_84 : i32 to index
        %get3A_86 = arith.constant 96 : index
        %get3A_87 = tpu.vector_load %arg25[%get3A_85, %get3A_86] {strides = array<i32>} : memref<8x128xf32, #tpu.memory_space<vmem>>, vector<1x16xf32>,
        %get3A_88 = vector.shape_cast %get3A_87 : vector<1x16xf32> to vector<16xf32>
        %get3A_89 = arith.constant 0 : i32
        %get3A_90 = arith.index_cast %get3A_89 : i32 to index
        %get3A_91 = arith.constant 112 : index
        %get3A_92 = tpu.vector_load %arg25[%get3A_90, %get3A_91] {strides = array<i32>} : memref<8x128xf32, #tpu.memory_space<vmem>>, vector<1x16xf32>,
        %get3A_93 = vector.shape_cast %get3A_92 : vector<1x16xf32> to vector<16xf32>
        %get3A_94 = arith.constant 1 : i32
        %get3A_95 = arith.index_cast %get3A_94 : i32 to index
        %get3A_96 = arith.constant 0 : index
        %get3A_97 = tpu.vector_load %arg25[%get3A_95, %get3A_96] {strides = array<i32>} : memref<8x128xf32, #tpu.memory_space<vmem>>, vector<1x16xf32>,
        %get3A_98 = vector.shape_cast %get3A_97 : vector<1x16xf32> to vector<16xf32>
        %get3A_99 = arith.constant 1 : i32
        %get3A_100 = arith.index_cast %get3A_99 : i32 to index
        %get3A_101 = arith.constant 16 : index
        %get3A_102 = tpu.vector_load %arg25[%get3A_100, %get3A_101] {strides = array<i32>} : memref<8x128xf32, #tpu.memory_space<vmem>>, vector<1x16xf32>,
        %get3A_103 = vector.shape_cast %get3A_102 : vector<1x16xf32> to vector<16xf32>
        %get3A_104 = arith.constant 1 : i32
        %get3A_105 = arith.index_cast %get3A_104 : i32 to index
        %get3A_106 = arith.constant 32 : index
        %get3A_107 = tpu.vector_load %arg25[%get3A_105, %get3A_106] {strides = array<i32>} : memref<8x128xf32, #tpu.memory_space<vmem>>, vector<1x16xf32>,
        %get3A_108 = vector.shape_cast %get3A_107 : vector<1x16xf32> to vector<16xf32>
        %get3A_109 = arith.constant 1 : i32
        %get3A_110 = arith.index_cast %get3A_109 : i32 to index
        %get3A_111 = arith.constant 48 : index
        %get3A_112 = tpu.vector_load %arg25[%get3A_110, %get3A_111] {strides = array<i32>} : memref<8x128xf32, #tpu.memory_space<vmem>>, vector<1x16xf32>,
        %get3A_113 = vector.shape_cast %get3A_112 : vector<1x16xf32> to vector<16xf32>
        %get3A_114 = arith.constant 1 : i32
        %get3A_115 = arith.index_cast %get3A_114 : i32 to index
        %get3A_116 = arith.constant 64 : index
        %get3A_117 = tpu.vector_load %arg25[%get3A_115, %get3A_116] {strides = array<i32>} : memref<8x128xf32, #tpu.memory_space<vmem>>, vector<1x16xf32>,
        %get3A_118 = vector.shape_cast %get3A_117 : vector<1x16xf32> to vector<16xf32>
        %get3A_119 = arith.constant 1 : i32
        %get3A_120 = arith.index_cast %get3A_119 : i32 to index
        %get3A_121 = arith.constant 80 : index
        %get3A_122 = tpu.vector_load %arg25[%get3A_120, %get3A_121] {strides = array<i32>} : memref<8x128xf32, #tpu.memory_space<vmem>>, vector<1x16xf32>,
        %get3A_123 = vector.shape_cast %get3A_122 : vector<1x16xf32> to vector<16xf32>
        %get3A_124 = arith.constant 1 : i32
        %get3A_125 = arith.index_cast %get3A_124 : i32 to index
        %get3A_126 = arith.constant 96 : index
        %get3A_127 = tpu.vector_load %arg25[%get3A_125, %get3A_126] {strides = array<i32>} : memref<8x128xf32, #tpu.memory_space<vmem>>, vector<1x16xf32>,
        %get3A_128 = vector.shape_cast %get3A_127 : vector<1x16xf32> to vector<16xf32>
        %get3A_129 = arith.constant 1 : i32
        %get3A_130 = arith.index_cast %get3A_129 : i32 to index
        %get3A_131 = arith.constant 112 : index
        %get3A_132 = tpu.vector_load %arg25[%get3A_130, %get3A_131] {strides = array<i32>} : memref<8x128xf32, #tpu.memory_space<vmem>>, vector<1x16xf32>,
        %get3A_133 = vector.shape_cast %get3A_132 : vector<1x16xf32> to vector<16xf32>
        %get3A_134 = arith.constant 2 : i32
        %get3A_135 = arith.index_cast %get3A_134 : i32 to index
        %get3A_136 = arith.constant 0 : index
        %get3A_137 = tpu.vector_load %arg25[%get3A_135, %get3A_136] {strides = array<i32>} : memref<8x128xf32, #tpu.memory_space<vmem>>, vector<1x16xf32>,
        %get3A_138 = vector.shape_cast %get3A_137 : vector<1x16xf32> to vector<16xf32>
        %get3A_139 = arith.constant 2 : i32
        %get3A_140 = arith.index_cast %get3A_139 : i32 to index
        %get3A_141 = arith.constant 16 : index
        %get3A_142 = tpu.vector_load %arg25[%get3A_140, %get3A_141] {strides = array<i32>} : memref<8x128xf32, #tpu.memory_space<vmem>>, vector<1x16xf32>,
        %get3A_143 = vector.shape_cast %get3A_142 : vector<1x16xf32> to vector<16xf32>
        %get3A_144 = arith.constant 2 : i32
        %get3A_145 = arith.index_cast %get3A_144 : i32 to index
        %get3A_146 = arith.constant 32 : index
        %get3A_147 = tpu.vector_load %arg25[%get3A_145, %get3A_146] {strides = array<i32>} : memref<8x128xf32, #tpu.memory_space<vmem>>, vector<1x16xf32>,
        %get3A_148 = vector.shape_cast %get3A_147 : vector<1x16xf32> to vector<16xf32>
        %get3A_149 = arith.constant 2 : i32
        %get3A_150 = arith.index_cast %get3A_149 : i32 to index
        %get3A_151 = arith.constant 48 : index
        %get3A_152 = tpu.vector_load %arg25[%get3A_150, %get3A_151] {strides = array<i32>} : memref<8x128xf32, #tpu.memory_space<vmem>>, vector<1x16xf32>,
        %get3A_153 = vector.shape_cast %get3A_152 : vector<1x16xf32> to vector<16xf32>
        %get3A_154 = arith.constant 2 : i32
        %get3A_155 = arith.index_cast %get3A_154 : i32 to index
        %get3A_156 = arith.constant 64 : index
        %get3A_157 = tpu.vector_load %arg25[%get3A_155, %get3A_156] {strides = array<i32>} : memref<8x128xf32, #tpu.memory_space<vmem>>, vector<1x16xf32>,
        %get3A_158 = vector.shape_cast %get3A_157 : vector<1x16xf32> to vector<16xf32>
        %get3A_159 = arith.constant 2 : i32
        %get3A_160 = arith.index_cast %get3A_159 : i32 to index
        %get3A_161 = arith.constant 80 : index
        %get3A_162 = tpu.vector_load %arg25[%get3A_160, %get3A_161] {strides = array<i32>} : memref<8x128xf32, #tpu.memory_space<vmem>>, vector<1x16xf32>,
        %get3A_163 = vector.shape_cast %get3A_162 : vector<1x16xf32> to vector<16xf32>
        %get3A_164 = arith.constant 2 : i32
        %get3A_165 = arith.index_cast %get3A_164 : i32 to index
        %get3A_166 = arith.constant 96 : index
        %get3A_167 = tpu.vector_load %arg25[%get3A_165, %get3A_166] {strides = array<i32>} : memref<8x128xf32, #tpu.memory_space<vmem>>, vector<1x16xf32>,
        %get3A_168 = vector.shape_cast %get3A_167 : vector<1x16xf32> to vector<16xf32>
        %get3A_169 = arith.constant 2 : i32
        %get3A_170 = arith.index_cast %get3A_169 : i32 to index
        %get3A_171 = arith.constant 112 : index
        %get3A_172 = tpu.vector_load %arg25[%get3A_170, %get3A_171] {strides = array<i32>} : memref<8x128xf32, #tpu.memory_space<vmem>>, vector<1x16xf32>,
        %get3A_173 = vector.shape_cast %get3A_172 : vector<1x16xf32> to vector<16xf32>
        %get3A_174 = arith.constant 3 : i32
        %get3A_175 = arith.index_cast %get3A_174 : i32 to index
        %get3A_176 = arith.constant 0 : index
        %get3A_177 = tpu.vector_load %arg25[%get3A_175, %get3A_176] {strides = array<i32>} : memref<8x128xf32, #tpu.memory_space<vmem>>, vector<1x16xf32>,
        %get3A_178 = vector.shape_cast %get3A_177 : vector<1x16xf32> to vector<16xf32>
        %get3A_179 = arith.constant 3 : i32
        %get3A_180 = arith.index_cast %get3A_179 : i32 to index
        %get3A_181 = arith.constant 16 : index
        %get3A_182 = tpu.vector_load %arg25[%get3A_180, %get3A_181] {strides = array<i32>} : memref<8x128xf32, #tpu.memory_space<vmem>>, vector<1x16xf32>,
        %get3A_183 = vector.shape_cast %get3A_182 : vector<1x16xf32> to vector<16xf32>
        %get3A_184 = arith.constant 3 : i32
        %get3A_185 = arith.index_cast %get3A_184 : i32 to index
        %get3A_186 = arith.constant 32 : index
        %get3A_187 = tpu.vector_load %arg25[%get3A_185, %get3A_186] {strides = array<i32>} : memref<8x128xf32, #tpu.memory_space<vmem>>, vector<1x16xf32>,
        %get3A_188 = vector.shape_cast %get3A_187 : vector<1x16xf32> to vector<16xf32>
        %get3A_189 = arith.constant 3 : i32
        %get3A_190 = arith.index_cast %get3A_189 : i32 to index
        %get3A_191 = arith.constant 48 : index
        %get3A_192 = tpu.vector_load %arg25[%get3A_190, %get3A_191] {strides = array<i32>} : memref<8x128xf32, #tpu.memory_space<vmem>>, vector<1x16xf32>,
        %get3A_193 = vector.shape_cast %get3A_192 : vector<1x16xf32> to vector<16xf32>
        %get3A_194 = arith.constant 3 : i32
        %get3A_195 = arith.index_cast %get3A_194 : i32 to index
        %get3A_196 = arith.constant 64 : index
        %get3A_197 = tpu.vector_load %arg25[%get3A_195, %get3A_196] {strides = array<i32>} : memref<8x128xf32, #tpu.memory_space<vmem>>, vector<1x16xf32>,
        %get3A_198 = vector.shape_cast %get3A_197 : vector<1x16xf32> to vector<16xf32>
        %get3A_199 = arith.constant 3 : i32
        %get3A_200 = arith.index_cast %get3A_199 : i32 to index
        %get3A_201 = arith.constant 80 : index
        %get3A_202 = tpu.vector_load %arg25[%get3A_200, %get3A_201] {strides = array<i32>} : memref<8x128xf32, #tpu.memory_space<vmem>>, vector<1x16xf32>,
        %get3A_203 = vector.shape_cast %get3A_202 : vector<1x16xf32> to vector<16xf32>
        %get3A_204 = arith.constant 3 : i32
        %get3A_205 = arith.index_cast %get3A_204 : i32 to index
        %get3A_206 = arith.constant 96 : index
        %get3A_207 = tpu.vector_load %arg25[%get3A_205, %get3A_206] {strides = array<i32>} : memref<8x128xf32, #tpu.memory_space<vmem>>, vector<1x16xf32>,
        %get3A_208 = vector.shape_cast %get3A_207 : vector<1x16xf32> to vector<16xf32>
        %get3A_209 = arith.constant 3 : i32
        %get3A_210 = arith.index_cast %get3A_209 : i32 to index
        %get3A_211 = arith.constant 112 : index
        %get3A_212 = tpu.vector_load %arg25[%get3A_210, %get3A_211] {strides = array<i32>} : memref<8x128xf32, #tpu.memory_space<vmem>>, vector<1x16xf32>,
        %get3A_213 = vector.shape_cast %get3A_212 : vector<1x16xf32> to vector<16xf32>
        %get3A_214 = arith.constant 4 : i32
        %get3A_215 = arith.index_cast %get3A_214 : i32 to index
        %get3A_216 = arith.constant 0 : index
        %get3A_217 = tpu.vector_load %arg25[%get3A_215, %get3A_216] {strides = array<i32>} : memref<8x128xf32, #tpu.memory_space<vmem>>, vector<1x16xf32>,
        %get3A_218 = vector.shape_cast %get3A_217 : vector<1x16xf32> to vector<16xf32>
        %get3A_219 = arith.constant 4 : i32
        %get3A_220 = arith.index_cast %get3A_219 : i32 to index
        %get3A_221 = arith.constant 16 : index
        %get3A_222 = tpu.vector_load %arg25[%get3A_220, %get3A_221] {strides = array<i32>} : memref<8x128xf32, #tpu.memory_space<vmem>>, vector<1x16xf32>,
        %get3A_223 = vector.shape_cast %get3A_222 : vector<1x16xf32> to vector<16xf32>
        %get3A_224 = arith.constant 4 : i32
        %get3A_225 = arith.index_cast %get3A_224 : i32 to index
        %get3A_226 = arith.constant 32 : index
        %get3A_227 = tpu.vector_load %arg25[%get3A_225, %get3A_226] {strides = array<i32>} : memref<8x128xf32, #tpu.memory_space<vmem>>, vector<1x16xf32>,
        %get3A_228 = vector.shape_cast %get3A_227 : vector<1x16xf32> to vector<16xf32>
        %get3A_229 = arith.constant 4 : i32
        %get3A_230 = arith.index_cast %get3A_229 : i32 to index
        %get3A_231 = arith.constant 48 : index
        %get3A_232 = tpu.vector_load %arg25[%get3A_230, %get3A_231] {strides = array<i32>} : memref<8x128xf32, #tpu.memory_space<vmem>>, vector<1x16xf32>,
        %get3A_233 = vector.shape_cast %get3A_232 : vector<1x16xf32> to vector<16xf32>
        %get3A_234 = arith.constant 4 : i32
        %get3A_235 = arith.index_cast %get3A_234 : i32 to index
        %get3A_236 = arith.constant 64 : index
        %get3A_237 = tpu.vector_load %arg25[%get3A_235, %get3A_236] {strides = array<i32>} : memref<8x128xf32, #tpu.memory_space<vmem>>, vector<1x16xf32>,
        %get3A_238 = vector.shape_cast %get3A_237 : vector<1x16xf32> to vector<16xf32>
        %get3A_239 = arith.constant 4 : i32
        %get3A_240 = arith.index_cast %get3A_239 : i32 to index
        %get3A_241 = arith.constant 80 : index
        %get3A_242 = tpu.vector_load %arg25[%get3A_240, %get3A_241] {strides = array<i32>} : memref<8x128xf32, #tpu.memory_space<vmem>>, vector<1x16xf32>,
        %get3A_243 = vector.shape_cast %get3A_242 : vector<1x16xf32> to vector<16xf32>
        %get3A_244 = arith.constant 4 : i32
        %get3A_245 = arith.index_cast %get3A_244 : i32 to index
        %get3A_246 = arith.constant 96 : index
        %get3A_247 = tpu.vector_load %arg25[%get3A_245, %get3A_246] {strides = array<i32>} : memref<8x128xf32, #tpu.memory_space<vmem>>, vector<1x16xf32>,
        %get3A_248 = vector.shape_cast %get3A_247 : vector<1x16xf32> to vector<16xf32>
        %get3A_249 = arith.constant 4 : i32
        %get3A_250 = arith.index_cast %get3A_249 : i32 to index
        %get3A_251 = arith.constant 112 : index
        %get3A_252 = tpu.vector_load %arg25[%get3A_250, %get3A_251] {strides = array<i32>} : memref<8x128xf32, #tpu.memory_space<vmem>>, vector<1x16xf32>,
        %get3A_253 = vector.shape_cast %get3A_252 : vector<1x16xf32> to vector<16xf32>
        %scan3A_254 = arith.constant 0 : i32
        %scan3A_255 = arith.constant 16 : i32
        %scan3A_256 = arith.addi %scan3A_254, %scan3A_255 : i32
        %scan3A_257 = arith.constant 2 : i32
        scf.for %scan3A_259 = %scan3A_254 to %scan3A_256 step %scan3A_257  : i32 {
          %mul3A_260 = arith.constant 1 : i32
          %mul3A_261 = arith.muli %scan3A_259, %mul3A_260 : i32
          %add3A_262 = arith.constant 0 : i32
          %add3A_263 = arith.addi %add3A_262, %mul3A_261 : i32
          %mul3A_264 = arith.constant 16 : i32
          %mul3A_265 = arith.muli %add3A_37, %mul3A_264 : i32
          %add3A_266 = arith.addi %mul3A_265, %add3A_263 : i32
          %broadcast_in_dim3A = vector.broadcast %add3A_263 : i32 to vector<16xi32>
          %broadcast_in_dim3A_267 = vector.shape_cast %broadcast_in_dim3A : vector<16xi32> to vector<16x1xi32>
          %gather3A = vector.shape_cast %broadcast_in_dim3A_267 : vector<16x1xi32> to vector<16xi32>
          %gather3A_268 = tpu.dynamic_gather %get3A_41[%gather3A] in [0] : vector<16xf32>, vector<16xi32> -> vector<16xf32>
          %broadcast_in_dim3A_269 = vector.shape_cast %broadcast_in_dim3A : vector<16xi32> to vector<16x1xi32>
          %gather3A_270 = vector.shape_cast %broadcast_in_dim3A_269 : vector<16x1xi32> to vector<16xi32>
          %gather3A_271 = tpu.dynamic_gather %get3A_44[%gather3A_270] in [0] : vector<16xf32>, vector<16xi32> -> vector<16xf32>
          %broadcast_in_dim3A_272 = vector.shape_cast %broadcast_in_dim3A : vector<16xi32> to vector<16x1xi32>
          %gather3A_273 = vector.shape_cast %broadcast_in_dim3A_272 : vector<16x1xi32> to vector<16xi32>
          %gather3A_274 = tpu.dynamic_gather %get3A_47[%gather3A_273] in [0] : vector<16xf32>, vector<16xi32> -> vector<16xf32>
          %broadcast_in_dim3A_275 = vector.shape_cast %broadcast_in_dim3A : vector<16xi32> to vector<16x1xi32>
          %gather3A_276 = vector.shape_cast %broadcast_in_dim3A_275 : vector<16x1xi32> to vector<16xi32>
          %gather3A_277 = tpu.dynamic_gather %get3A_50[%gather3A_276] in [0] : vector<16xf32>, vector<16xi32> -> vector<16xf32>
          %broadcast_in_dim3A_278 = vector.shape_cast %broadcast_in_dim3A : vector<16xi32> to vector<16x1xi32>
          %gather3A_279 = vector.shape_cast %broadcast_in_dim3A_278 : vector<16x1xi32> to vector<16xi32>
          %gather3A_280 = tpu.dynamic_gather %get3A_53[%gather3A_279] in [0] : vector<16xf32>, vector<16xi32> -> vector<16xf32>
          %get3A_281 = arith.index_cast %add3A_266 : i32 to index
          %get3A_282 = arith.constant 0 : index
          %get3A_283 = tpu.vector_load %arg24[%get3A_281, %get3A_282] {strides = array<i32>} : memref<512x128xf32, #tpu.memory_space<vmem>>, vector<1x16xf32>,
          %get3A_284 = vector.shape_cast %get3A_283 : vector<1x16xf32> to vector<16xf32>
          %mul3A_285 = arith.mulf %gather3A_268, %get3A_58 : vector<16xf32>
          %add3A_286 = arith.addf %get3A_284, %mul3A_285 : vector<16xf32>
          %mul3A_287 = arith.mulf %gather3A_271, %get3A_98 : vector<16xf32>
          %add3A_288 = arith.addf %add3A_286, %mul3A_287 : vector<16xf32>
          %mul3A_289 = arith.mulf %gather3A_274, %get3A_138 : vector<16xf32>
          %add3A_290 = arith.addf %add3A_288, %mul3A_289 : vector<16xf32>
          %mul3A_291 = arith.mulf %gather3A_277, %get3A_178 : vector<16xf32>
          %add3A_292 = arith.addf %add3A_290, %mul3A_291 : vector<16xf32>
          %mul3A_293 = arith.mulf %gather3A_280, %get3A_218 : vector<16xf32>
          %add3A_294 = arith.addf %add3A_292, %mul3A_293 : vector<16xf32>
          %swap3A = arith.index_cast %add3A_266 : i32 to index
          %swap3A_295 = arith.constant 0 : index
          %swap3A_296 = tpu.vector_load %arg24[%swap3A, %swap3A_295] {strides = array<i32>} : memref<512x128xf32, #tpu.memory_space<vmem>>, vector<1x16xf32>,
          %swap3A_297 = vector.shape_cast %swap3A_296 : vector<1x16xf32> to vector<16xf32>
          %swap3A_298 = vector.shape_cast %add3A_294 : vector<16xf32> to vector<1x16xf32>
          tpu.vector_store %arg24[%swap3A, %swap3A_295], %swap3A_298 {strides = array<i32>} : memref<512x128xf32, #tpu.memory_space<vmem>>, vector<1x16xf32>,
          %get3A_299 = arith.index_cast %add3A_266 : i32 to index
          %get3A_300 = arith.constant 16 : index
          %get3A_301 = tpu.vector_load %arg24[%get3A_299, %get3A_300] {strides = array<i32>} : memref<512x128xf32, #tpu.memory_space<vmem>>, vector<1x16xf32>,
          %get3A_302 = vector.shape_cast %get3A_301 : vector<1x16xf32> to vector<16xf32>
          %mul3A_303 = arith.mulf %gather3A_268, %get3A_63 : vector<16xf32>
          %add3A_304 = arith.addf %get3A_302, %mul3A_303 : vector<16xf32>
          %mul3A_305 = arith.mulf %gather3A_271, %get3A_103 : vector<16xf32>
          %add3A_306 = arith.addf %add3A_304, %mul3A_305 : vector<16xf32>
          %mul3A_307 = arith.mulf %gather3A_274, %get3A_143 : vector<16xf32>
          %add3A_308 = arith.addf %add3A_306, %mul3A_307 : vector<16xf32>
          %mul3A_309 = arith.mulf %gather3A_277, %get3A_183 : vector<16xf32>
          %add3A_310 = arith.addf %add3A_308, %mul3A_309 : vector<16xf32>
          %mul3A_311 = arith.mulf %gather3A_280, %get3A_223 : vector<16xf32>
          %add3A_312 = arith.addf %add3A_310, %mul3A_311 : vector<16xf32>
          %swap3A_313 = arith.index_cast %add3A_266 : i32 to index
          %swap3A_314 = arith.constant 16 : index
          %swap3A_315 = tpu.vector_load %arg24[%swap3A_313, %swap3A_314] {strides = array<i32>} : memref<512x128xf32, #tpu.memory_space<vmem>>, vector<1x16xf32>,
          %swap3A_316 = vector.shape_cast %swap3A_315 : vector<1x16xf32> to vector<16xf32>
          %swap3A_317 = vector.shape_cast %add3A_312 : vector<16xf32> to vector<1x16xf32>
          tpu.vector_store %arg24[%swap3A_313, %swap3A_314], %swap3A_317 {strides = array<i32>} : memref<512x128xf32, #tpu.memory_space<vmem>>, vector<1x16xf32>,
          %get3A_318 = arith.index_cast %add3A_266 : i32 to index
          %get3A_319 = arith.constant 32 : index
          %get3A_320 = tpu.vector_load %arg24[%get3A_318, %get3A_319] {strides = array<i32>} : memref<512x128xf32, #tpu.memory_space<vmem>>, vector<1x16xf32>,
          %get3A_321 = vector.shape_cast %get3A_320 : vector<1x16xf32> to vector<16xf32>
          %mul3A_322 = arith.mulf %gather3A_268, %get3A_68 : vector<16xf32>
          %add3A_323 = arith.addf %get3A_321, %mul3A_322 : vector<16xf32>
          %mul3A_324 = arith.mulf %gather3A_271, %get3A_108 : vector<16xf32>
          %add3A_325 = arith.addf %add3A_323, %mul3A_324 : vector<16xf32>
          %mul3A_326 = arith.mulf %gather3A_274, %get3A_148 : vector<16xf32>
          %add3A_327 = arith.addf %add3A_325, %mul3A_326 : vector<16xf32>
          %mul3A_328 = arith.mulf %gather3A_277, %get3A_188 : vector<16xf32>
          %add3A_329 = arith.addf %add3A_327, %mul3A_328 : vector<16xf32>
          %mul3A_330 = arith.mulf %gather3A_280, %get3A_228 : vector<16xf32>
          %add3A_331 = arith.addf %add3A_329, %mul3A_330 : vector<16xf32>
          %swap3A_332 = arith.index_cast %add3A_266 : i32 to index
          %swap3A_333 = arith.constant 32 : index
          %swap3A_334 = tpu.vector_load %arg24[%swap3A_332, %swap3A_333] {strides = array<i32>} : memref<512x128xf32, #tpu.memory_space<vmem>>, vector<1x16xf32>,
          %swap3A_335 = vector.shape_cast %swap3A_334 : vector<1x16xf32> to vector<16xf32>
          %swap3A_336 = vector.shape_cast %add3A_331 : vector<16xf32> to vector<1x16xf32>
          tpu.vector_store %arg24[%swap3A_332, %swap3A_333], %swap3A_336 {strides = array<i32>} : memref<512x128xf32, #tpu.memory_space<vmem>>, vector<1x16xf32>,
          %get3A_337 = arith.index_cast %add3A_266 : i32 to index
          %get3A_338 = arith.constant 48 : index
          %get3A_339 = tpu.vector_load %arg24[%get3A_337, %get3A_338] {strides = array<i32>} : memref<512x128xf32, #tpu.memory_space<vmem>>, vector<1x16xf32>,
          %get3A_340 = vector.shape_cast %get3A_339 : vector<1x16xf32> to vector<16xf32>
          %mul3A_341 = arith.mulf %gather3A_268, %get3A_73 : vector<16xf32>
          %add3A_342 = arith.addf %get3A_340, %mul3A_341 : vector<16xf32>
          %mul3A_343 = arith.mulf %gather3A_271, %get3A_113 : vector<16xf32>
          %add3A_344 = arith.addf %add3A_342, %mul3A_343 : vector<16xf32>
          %mul3A_345 = arith.mulf %gather3A_274, %get3A_153 : vector<16xf32>
          %add3A_346 = arith.addf %add3A_344, %mul3A_345 : vector<16xf32>
          %mul3A_347 = arith.mulf %gather3A_277, %get3A_193 : vector<16xf32>
          %add3A_348 = arith.addf %add3A_346, %mul3A_347 : vector<16xf32>
          %mul3A_349 = arith.mulf %gather3A_280, %get3A_233 : vector<16xf32>
          %add3A_350 = arith.addf %add3A_348, %mul3A_349 : vector<16xf32>
          %swap3A_351 = arith.index_cast %add3A_266 : i32 to index
          %swap3A_352 = arith.constant 48 : index
          %swap3A_353 = tpu.vector_load %arg24[%swap3A_351, %swap3A_352] {strides = array<i32>} : memref<512x128xf32, #tpu.memory_space<vmem>>, vector<1x16xf32>,
          %swap3A_354 = vector.shape_cast %swap3A_353 : vector<1x16xf32> to vector<16xf32>
          %swap3A_355 = vector.shape_cast %add3A_350 : vector<16xf32> to vector<1x16xf32>
          tpu.vector_store %arg24[%swap3A_351, %swap3A_352], %swap3A_355 {strides = array<i32>} : memref<512x128xf32, #tpu.memory_space<vmem>>, vector<1x16xf32>,
          %get3A_356 = arith.index_cast %add3A_266 : i32 to index
          %get3A_357 = arith.constant 64 : index
          %get3A_358 = tpu.vector_load %arg24[%get3A_356, %get3A_357] {strides = array<i32>} : memref<512x128xf32, #tpu.memory_space<vmem>>, vector<1x16xf32>,
          %get3A_359 = vector.shape_cast %get3A_358 : vector<1x16xf32> to vector<16xf32>
          %mul3A_360 = arith.mulf %gather3A_268, %get3A_78 : vector<16xf32>
          %add3A_361 = arith.addf %get3A_359, %mul3A_360 : vector<16xf32>
          %mul3A_362 = arith.mulf %gather3A_271, %get3A_118 : vector<16xf32>
          %add3A_363 = arith.addf %add3A_361, %mul3A_362 : vector<16xf32>
          %mul3A_364 = arith.mulf %gather3A_274, %get3A_158 : vector<16xf32>
          %add3A_365 = arith.addf %add3A_363, %mul3A_364 : vector<16xf32>
          %mul3A_366 = arith.mulf %gather3A_277, %get3A_198 : vector<16xf32>
          %add3A_367 = arith.addf %add3A_365, %mul3A_366 : vector<16xf32>
          %mul3A_368 = arith.mulf %gather3A_280, %get3A_238 : vector<16xf32>
          %add3A_369 = arith.addf %add3A_367, %mul3A_368 : vector<16xf32>
          %swap3A_370 = arith.index_cast %add3A_266 : i32 to index
          %swap3A_371 = arith.constant 64 : index
          %swap3A_372 = tpu.vector_load %arg24[%swap3A_370, %swap3A_371] {strides = array<i32>} : memref<512x128xf32, #tpu.memory_space<vmem>>, vector<1x16xf32>,
          %swap3A_373 = vector.shape_cast %swap3A_372 : vector<1x16xf32> to vector<16xf32>
          %swap3A_374 = vector.shape_cast %add3A_369 : vector<16xf32> to vector<1x16xf32>
          tpu.vector_store %arg24[%swap3A_370, %swap3A_371], %swap3A_374 {strides = array<i32>} : memref<512x128xf32, #tpu.memory_space<vmem>>, vector<1x16xf32>,
          %get3A_375 = arith.index_cast %add3A_266 : i32 to index
          %get3A_376 = arith.constant 80 : index
          %get3A_377 = tpu.vector_load %arg24[%get3A_375, %get3A_376] {strides = array<i32>} : memref<512x128xf32, #tpu.memory_space<vmem>>, vector<1x16xf32>,
          %get3A_378 = vector.shape_cast %get3A_377 : vector<1x16xf32> to vector<16xf32>
          %mul3A_379 = arith.mulf %gather3A_268, %get3A_83 : vector<16xf32>
          %add3A_380 = arith.addf %get3A_378, %mul3A_379 : vector<16xf32>
          %mul3A_381 = arith.mulf %gather3A_271, %get3A_123 : vector<16xf32>
          %add3A_382 = arith.addf %add3A_380, %mul3A_381 : vector<16xf32>
          %mul3A_383 = arith.mulf %gather3A_274, %get3A_163 : vector<16xf32>
          %add3A_384 = arith.addf %add3A_382, %mul3A_383 : vector<16xf32>
          %mul3A_385 = arith.mulf %gather3A_277, %get3A_203 : vector<16xf32>
          %add3A_386 = arith.addf %add3A_384, %mul3A_385 : vector<16xf32>
          %mul3A_387 = arith.mulf %gather3A_280, %get3A_243 : vector<16xf32>
          %add3A_388 = arith.addf %add3A_386, %mul3A_387 : vector<16xf32>
          %swap3A_389 = arith.index_cast %add3A_266 : i32 to index
          %swap3A_390 = arith.constant 80 : index
          %swap3A_391 = tpu.vector_load %arg24[%swap3A_389, %swap3A_390] {strides = array<i32>} : memref<512x128xf32, #tpu.memory_space<vmem>>, vector<1x16xf32>,
          %swap3A_392 = vector.shape_cast %swap3A_391 : vector<1x16xf32> to vector<16xf32>
          %swap3A_393 = vector.shape_cast %add3A_388 : vector<16xf32> to vector<1x16xf32>
          tpu.vector_store %arg24[%swap3A_389, %swap3A_390], %swap3A_393 {strides = array<i32>} : memref<512x128xf32, #tpu.memory_space<vmem>>, vector<1x16xf32>,
          %get3A_394 = arith.index_cast %add3A_266 : i32 to index
          %get3A_395 = arith.constant 96 : index
          %get3A_396 = tpu.vector_load %arg24[%get3A_394, %get3A_395] {strides = array<i32>} : memref<512x128xf32, #tpu.memory_space<vmem>>, vector<1x16xf32>,
          %get3A_397 = vector.shape_cast %get3A_396 : vector<1x16xf32> to vector<16xf32>
          %mul3A_398 = arith.mulf %gather3A_268, %get3A_88 : vector<16xf32>
          %add3A_399 = arith.addf %get3A_397, %mul3A_398 : vector<16xf32>
          %mul3A_400 = arith.mulf %gather3A_271, %get3A_128 : vector<16xf32>
          %add3A_401 = arith.addf %add3A_399, %mul3A_400 : vector<16xf32>
          %mul3A_402 = arith.mulf %gather3A_274, %get3A_168 : vector<16xf32>
          %add3A_403 = arith.addf %add3A_401, %mul3A_402 : vector<16xf32>
          %mul3A_404 = arith.mulf %gather3A_277, %get3A_208 : vector<16xf32>
          %add3A_405 = arith.addf %add3A_403, %mul3A_404 : vector<16xf32>
          %mul3A_406 = arith.mulf %gather3A_280, %get3A_248 : vector<16xf32>
          %add3A_407 = arith.addf %add3A_405, %mul3A_406 : vector<16xf32>
          %swap3A_408 = arith.index_cast %add3A_266 : i32 to index
          %swap3A_409 = arith.constant 96 : index
          %swap3A_410 = tpu.vector_load %arg24[%swap3A_408, %swap3A_409] {strides = array<i32>} : memref<512x128xf32, #tpu.memory_space<vmem>>, vector<1x16xf32>,
          %swap3A_411 = vector.shape_cast %swap3A_410 : vector<1x16xf32> to vector<16xf32>
          %swap3A_412 = vector.shape_cast %add3A_407 : vector<16xf32> to vector<1x16xf32>
          tpu.vector_store %arg24[%swap3A_408, %swap3A_409], %swap3A_412 {strides = array<i32>} : memref<512x128xf32, #tpu.memory_space<vmem>>, vector<1x16xf32>,
          %get3A_413 = arith.index_cast %add3A_266 : i32 to index
          %get3A_414 = arith.constant 112 : index
          %get3A_415 = tpu.vector_load %arg24[%get3A_413, %get3A_414] {strides = array<i32>} : memref<512x128xf32, #tpu.memory_space<vmem>>, vector<1x16xf32>,
          %get3A_416 = vector.shape_cast %get3A_415 : vector<1x16xf32> to vector<16xf32>
          %mul3A_417 = arith.mulf %gather3A_268, %get3A_93 : vector<16xf32>
          %add3A_418 = arith.addf %get3A_416, %mul3A_417 : vector<16xf32>
          %mul3A_419 = arith.mulf %gather3A_271, %get3A_133 : vector<16xf32>
          %add3A_420 = arith.addf %add3A_418, %mul3A_419 : vector<16xf32>
          %mul3A_421 = arith.mulf %gather3A_274, %get3A_173 : vector<16xf32>
          %add3A_422 = arith.addf %add3A_420, %mul3A_421 : vector<16xf32>
          %mul3A_423 = arith.mulf %gather3A_277, %get3A_213 : vector<16xf32>
          %add3A_424 = arith.addf %add3A_422, %mul3A_423 : vector<16xf32>
          %mul3A_425 = arith.mulf %gather3A_280, %get3A_253 : vector<16xf32>
          %add3A_426 = arith.addf %add3A_424, %mul3A_425 : vector<16xf32>
          %swap3A_427 = arith.index_cast %add3A_266 : i32 to index
          %swap3A_428 = arith.constant 112 : index
          %swap3A_429 = tpu.vector_load %arg24[%swap3A_427, %swap3A_428] {strides = array<i32>} : memref<512x128xf32, #tpu.memory_space<vmem>>, vector<1x16xf32>,
          %swap3A_430 = vector.shape_cast %swap3A_429 : vector<1x16xf32> to vector<16xf32>
          %swap3A_431 = vector.shape_cast %add3A_426 : vector<16xf32> to vector<1x16xf32>
          tpu.vector_store %arg24[%swap3A_427, %swap3A_428], %swap3A_431 {strides = array<i32>} : memref<512x128xf32, #tpu.memory_space<vmem>>, vector<1x16xf32>,
          %scan3A_432 = arith.constant 1 : i32
          %scan3A_433 = arith.addi %scan3A_259, %scan3A_432 : i32
          %mul3A_434 = arith.constant 1 : i32
          %mul3A_435 = arith.muli %scan3A_433, %mul3A_434 : i32
          %add3A_436 = arith.constant 0 : i32
          %add3A_437 = arith.addi %add3A_436, %mul3A_435 : i32
          %mul3A_438 = arith.constant 16 : i32
          %mul3A_439 = arith.muli %add3A_37, %mul3A_438 : i32
          %add3A_440 = arith.addi %mul3A_439, %add3A_437 : i32
          %broadcast_in_dim3A_441 = vector.broadcast %add3A_437 : i32 to vector<16xi32>
          %broadcast_in_dim3A_442 = vector.shape_cast %broadcast_in_dim3A_441 : vector<16xi32> to vector<16x1xi32>
          %gather3A_443 = vector.shape_cast %broadcast_in_dim3A_442 : vector<16x1xi32> to vector<16xi32>
          %gather3A_444 = tpu.dynamic_gather %get3A_41[%gather3A_443] in [0] : vector<16xf32>, vector<16xi32> -> vector<16xf32>
          %broadcast_in_dim3A_445 = vector.shape_cast %broadcast_in_dim3A_441 : vector<16xi32> to vector<16x1xi32>
          %gather3A_446 = vector.shape_cast %broadcast_in_dim3A_445 : vector<16x1xi32> to vector<16xi32>
          %gather3A_447 = tpu.dynamic_gather %get3A_44[%gather3A_446] in [0] : vector<16xf32>, vector<16xi32> -> vector<16xf32>
          %broadcast_in_dim3A_448 = vector.shape_cast %broadcast_in_dim3A_441 : vector<16xi32> to vector<16x1xi32>
          %gather3A_449 = vector.shape_cast %broadcast_in_dim3A_448 : vector<16x1xi32> to vector<16xi32>
          %gather3A_450 = tpu.dynamic_gather %get3A_47[%gather3A_449] in [0] : vector<16xf32>, vector<16xi32> -> vector<16xf32>
          %broadcast_in_dim3A_451 = vector.shape_cast %broadcast_in_dim3A_441 : vector<16xi32> to vector<16x1xi32>
          %gather3A_452 = vector.shape_cast %broadcast_in_dim3A_451 : vector<16x1xi32> to vector<16xi32>
          %gather3A_453 = tpu.dynamic_gather %get3A_50[%gather3A_452] in [0] : vector<16xf32>, vector<16xi32> -> vector<16xf32>
          %broadcast_in_dim3A_454 = vector.shape_cast %broadcast_in_dim3A_441 : vector<16xi32> to vector<16x1xi32>
          %gather3A_455 = vector.shape_cast %broadcast_in_dim3A_454 : vector<16x1xi32> to vector<16xi32>
          %gather3A_456 = tpu.dynamic_gather %get3A_53[%gather3A_455] in [0] : vector<16xf32>, vector<16xi32> -> vector<16xf32>
          %get3A_457 = arith.index_cast %add3A_440 : i32 to index
          %get3A_458 = arith.constant 0 : index
          %get3A_459 = tpu.vector_load %arg24[%get3A_457, %get3A_458] {strides = array<i32>} : memref<512x128xf32, #tpu.memory_space<vmem>>, vector<1x16xf32>,
          %get3A_460 = vector.shape_cast %get3A_459 : vector<1x16xf32> to vector<16xf32>
          %mul3A_461 = arith.mulf %gather3A_444, %get3A_58 : vector<16xf32>
          %add3A_462 = arith.addf %get3A_460, %mul3A_461 : vector<16xf32>
          %mul3A_463 = arith.mulf %gather3A_447, %get3A_98 : vector<16xf32>
          %add3A_464 = arith.addf %add3A_462, %mul3A_463 : vector<16xf32>
          %mul3A_465 = arith.mulf %gather3A_450, %get3A_138 : vector<16xf32>
          %add3A_466 = arith.addf %add3A_464, %mul3A_465 : vector<16xf32>
          %mul3A_467 = arith.mulf %gather3A_453, %get3A_178 : vector<16xf32>
          %add3A_468 = arith.addf %add3A_466, %mul3A_467 : vector<16xf32>
          %mul3A_469 = arith.mulf %gather3A_456, %get3A_218 : vector<16xf32>
          %add3A_470 = arith.addf %add3A_468, %mul3A_469 : vector<16xf32>
          %swap3A_471 = arith.index_cast %add3A_440 : i32 to index
          %swap3A_472 = arith.constant 0 : index
          %swap3A_473 = tpu.vector_load %arg24[%swap3A_471, %swap3A_472] {strides = array<i32>} : memref<512x128xf32, #tpu.memory_space<vmem>>, vector<1x16xf32>,
          %swap3A_474 = vector.shape_cast %swap3A_473 : vector<1x16xf32> to vector<16xf32>
          %swap3A_475 = vector.shape_cast %add3A_470 : vector<16xf32> to vector<1x16xf32>
          tpu.vector_store %arg24[%swap3A_471, %swap3A_472], %swap3A_475 {strides = array<i32>} : memref<512x128xf32, #tpu.memory_space<vmem>>, vector<1x16xf32>,
          %get3A_476 = arith.index_cast %add3A_440 : i32 to index
          %get3A_477 = arith.constant 16 : index
          %get3A_478 = tpu.vector_load %arg24[%get3A_476, %get3A_477] {strides = array<i32>} : memref<512x128xf32, #tpu.memory_space<vmem>>, vector<1x16xf32>,
          %get3A_479 = vector.shape_cast %get3A_478 : vector<1x16xf32> to vector<16xf32>
          %mul3A_480 = arith.mulf %gather3A_444, %get3A_63 : vector<16xf32>
          %add3A_481 = arith.addf %get3A_479, %mul3A_480 : vector<16xf32>
          %mul3A_482 = arith.mulf %gather3A_447, %get3A_103 : vector<16xf32>
          %add3A_483 = arith.addf %add3A_481, %mul3A_482 : vector<16xf32>
          %mul3A_484 = arith.mulf %gather3A_450, %get3A_143 : vector<16xf32>
          %add3A_485 = arith.addf %add3A_483, %mul3A_484 : vector<16xf32>
          %mul3A_486 = arith.mulf %gather3A_453, %get3A_183 : vector<16xf32>
          %add3A_487 = arith.addf %add3A_485, %mul3A_486 : vector<16xf32>
          %mul3A_488 = arith.mulf %gather3A_456, %get3A_223 : vector<16xf32>
          %add3A_489 = arith.addf %add3A_487, %mul3A_488 : vector<16xf32>
          %swap3A_490 = arith.index_cast %add3A_440 : i32 to index
          %swap3A_491 = arith.constant 16 : index
          %swap3A_492 = tpu.vector_load %arg24[%swap3A_490, %swap3A_491] {strides = array<i32>} : memref<512x128xf32, #tpu.memory_space<vmem>>, vector<1x16xf32>,
          %swap3A_493 = vector.shape_cast %swap3A_492 : vector<1x16xf32> to vector<16xf32>
          %swap3A_494 = vector.shape_cast %add3A_489 : vector<16xf32> to vector<1x16xf32>
          tpu.vector_store %arg24[%swap3A_490, %swap3A_491], %swap3A_494 {strides = array<i32>} : memref<512x128xf32, #tpu.memory_space<vmem>>, vector<1x16xf32>,
          %get3A_495 = arith.index_cast %add3A_440 : i32 to index
          %get3A_496 = arith.constant 32 : index
          %get3A_497 = tpu.vector_load %arg24[%get3A_495, %get3A_496] {strides = array<i32>} : memref<512x128xf32, #tpu.memory_space<vmem>>, vector<1x16xf32>,
          %get3A_498 = vector.shape_cast %get3A_497 : vector<1x16xf32> to vector<16xf32>
          %mul3A_499 = arith.mulf %gather3A_444, %get3A_68 : vector<16xf32>
          %add3A_500 = arith.addf %get3A_498, %mul3A_499 : vector<16xf32>
          %mul3A_501 = arith.mulf %gather3A_447, %get3A_108 : vector<16xf32>
          %add3A_502 = arith.addf %add3A_500, %mul3A_501 : vector<16xf32>
          %mul3A_503 = arith.mulf %gather3A_450, %get3A_148 : vector<16xf32>
          %add3A_504 = arith.addf %add3A_502, %mul3A_503 : vector<16xf32>
          %mul3A_505 = arith.mulf %gather3A_453, %get3A_188 : vector<16xf32>
          %add3A_506 = arith.addf %add3A_504, %mul3A_505 : vector<16xf32>
          %mul3A_507 = arith.mulf %gather3A_456, %get3A_228 : vector<16xf32>
          %add3A_508 = arith.addf %add3A_506, %mul3A_507 : vector<16xf32>
          %swap3A_509 = arith.index_cast %add3A_440 : i32 to index
          %swap3A_510 = arith.constant 32 : index
          %swap3A_511 = tpu.vector_load %arg24[%swap3A_509, %swap3A_510] {strides = array<i32>} : memref<512x128xf32, #tpu.memory_space<vmem>>, vector<1x16xf32>,
          %swap3A_512 = vector.shape_cast %swap3A_511 : vector<1x16xf32> to vector<16xf32>
          %swap3A_513 = vector.shape_cast %add3A_508 : vector<16xf32> to vector<1x16xf32>
          tpu.vector_store %arg24[%swap3A_509, %swap3A_510], %swap3A_513 {strides = array<i32>} : memref<512x128xf32, #tpu.memory_space<vmem>>, vector<1x16xf32>,
          %get3A_514 = arith.index_cast %add3A_440 : i32 to index
          %get3A_515 = arith.constant 48 : index
          %get3A_516 = tpu.vector_load %arg24[%get3A_514, %get3A_515] {strides = array<i32>} : memref<512x128xf32, #tpu.memory_space<vmem>>, vector<1x16xf32>,
          %get3A_517 = vector.shape_cast %get3A_516 : vector<1x16xf32> to vector<16xf32>
          %mul3A_518 = arith.mulf %gather3A_444, %get3A_73 : vector<16xf32>
          %add3A_519 = arith.addf %get3A_517, %mul3A_518 : vector<16xf32>
          %mul3A_520 = arith.mulf %gather3A_447, %get3A_113 : vector<16xf32>
          %add3A_521 = arith.addf %add3A_519, %mul3A_520 : vector<16xf32>
          %mul3A_522 = arith.mulf %gather3A_450, %get3A_153 : vector<16xf32>
          %add3A_523 = arith.addf %add3A_521, %mul3A_522 : vector<16xf32>
          %mul3A_524 = arith.mulf %gather3A_453, %get3A_193 : vector<16xf32>
          %add3A_525 = arith.addf %add3A_523, %mul3A_524 : vector<16xf32>
          %mul3A_526 = arith.mulf %gather3A_456, %get3A_233 : vector<16xf32>
          %add3A_527 = arith.addf %add3A_525, %mul3A_526 : vector<16xf32>
          %swap3A_528 = arith.index_cast %add3A_440 : i32 to index
          %swap3A_529 = arith.constant 48 : index
          %swap3A_530 = tpu.vector_load %arg24[%swap3A_528, %swap3A_529] {strides = array<i32>} : memref<512x128xf32, #tpu.memory_space<vmem>>, vector<1x16xf32>,
          %swap3A_531 = vector.shape_cast %swap3A_530 : vector<1x16xf32> to vector<16xf32>
          %swap3A_532 = vector.shape_cast %add3A_527 : vector<16xf32> to vector<1x16xf32>
          tpu.vector_store %arg24[%swap3A_528, %swap3A_529], %swap3A_532 {strides = array<i32>} : memref<512x128xf32, #tpu.memory_space<vmem>>, vector<1x16xf32>,
          %get3A_533 = arith.index_cast %add3A_440 : i32 to index
          %get3A_534 = arith.constant 64 : index
          %get3A_535 = tpu.vector_load %arg24[%get3A_533, %get3A_534] {strides = array<i32>} : memref<512x128xf32, #tpu.memory_space<vmem>>, vector<1x16xf32>,
          %get3A_536 = vector.shape_cast %get3A_535 : vector<1x16xf32> to vector<16xf32>
          %mul3A_537 = arith.mulf %gather3A_444, %get3A_78 : vector<16xf32>
          %add3A_538 = arith.addf %get3A_536, %mul3A_537 : vector<16xf32>
          %mul3A_539 = arith.mulf %gather3A_447, %get3A_118 : vector<16xf32>
          %add3A_540 = arith.addf %add3A_538, %mul3A_539 : vector<16xf32>
          %mul3A_541 = arith.mulf %gather3A_450, %get3A_158 : vector<16xf32>
          %add3A_542 = arith.addf %add3A_540, %mul3A_541 : vector<16xf32>
          %mul3A_543 = arith.mulf %gather3A_453, %get3A_198 : vector<16xf32>
          %add3A_544 = arith.addf %add3A_542, %mul3A_543 : vector<16xf32>
          %mul3A_545 = arith.mulf %gather3A_456, %get3A_238 : vector<16xf32>
          %add3A_546 = arith.addf %add3A_544, %mul3A_545 : vector<16xf32>
          %swap3A_547 = arith.index_cast %add3A_440 : i32 to index
          %swap3A_548 = arith.constant 64 : index
          %swap3A_549 = tpu.vector_load %arg24[%swap3A_547, %swap3A_548] {strides = array<i32>} : memref<512x128xf32, #tpu.memory_space<vmem>>, vector<1x16xf32>,
          %swap3A_550 = vector.shape_cast %swap3A_549 : vector<1x16xf32> to vector<16xf32>
          %swap3A_551 = vector.shape_cast %add3A_546 : vector<16xf32> to vector<1x16xf32>
          tpu.vector_store %arg24[%swap3A_547, %swap3A_548], %swap3A_551 {strides = array<i32>} : memref<512x128xf32, #tpu.memory_space<vmem>>, vector<1x16xf32>,
          %get3A_552 = arith.index_cast %add3A_440 : i32 to index
          %get3A_553 = arith.constant 80 : index
          %get3A_554 = tpu.vector_load %arg24[%get3A_552, %get3A_553] {strides = array<i32>} : memref<512x128xf32, #tpu.memory_space<vmem>>, vector<1x16xf32>,
          %get3A_555 = vector.shape_cast %get3A_554 : vector<1x16xf32> to vector<16xf32>
          %mul3A_556 = arith.mulf %gather3A_444, %get3A_83 : vector<16xf32>
          %add3A_557 = arith.addf %get3A_555, %mul3A_556 : vector<16xf32>
          %mul3A_558 = arith.mulf %gather3A_447, %get3A_123 : vector<16xf32>
          %add3A_559 = arith.addf %add3A_557, %mul3A_558 : vector<16xf32>
          %mul3A_560 = arith.mulf %gather3A_450, %get3A_163 : vector<16xf32>
          %add3A_561 = arith.addf %add3A_559, %mul3A_560 : vector<16xf32>
          %mul3A_562 = arith.mulf %gather3A_453, %get3A_203 : vector<16xf32>
          %add3A_563 = arith.addf %add3A_561, %mul3A_562 : vector<16xf32>
          %mul3A_564 = arith.mulf %gather3A_456, %get3A_243 : vector<16xf32>
          %add3A_565 = arith.addf %add3A_563, %mul3A_564 : vector<16xf32>
          %swap3A_566 = arith.index_cast %add3A_440 : i32 to index
          %swap3A_567 = arith.constant 80 : index
          %swap3A_568 = tpu.vector_load %arg24[%swap3A_566, %swap3A_567] {strides = array<i32>} : memref<512x128xf32, #tpu.memory_space<vmem>>, vector<1x16xf32>,
          %swap3A_569 = vector.shape_cast %swap3A_568 : vector<1x16xf32> to vector<16xf32>
          %swap3A_570 = vector.shape_cast %add3A_565 : vector<16xf32> to vector<1x16xf32>
          tpu.vector_store %arg24[%swap3A_566, %swap3A_567], %swap3A_570 {strides = array<i32>} : memref<512x128xf32, #tpu.memory_space<vmem>>, vector<1x16xf32>,
          %get3A_571 = arith.index_cast %add3A_440 : i32 to index
          %get3A_572 = arith.constant 96 : index
          %get3A_573 = tpu.vector_load %arg24[%get3A_571, %get3A_572] {strides = array<i32>} : memref<512x128xf32, #tpu.memory_space<vmem>>, vector<1x16xf32>,
          %get3A_574 = vector.shape_cast %get3A_573 : vector<1x16xf32> to vector<16xf32>
          %mul3A_575 = arith.mulf %gather3A_444, %get3A_88 : vector<16xf32>
          %add3A_576 = arith.addf %get3A_574, %mul3A_575 : vector<16xf32>
          %mul3A_577 = arith.mulf %gather3A_447, %get3A_128 : vector<16xf32>
          %add3A_578 = arith.addf %add3A_576, %mul3A_577 : vector<16xf32>
          %mul3A_579 = arith.mulf %gather3A_450, %get3A_168 : vector<16xf32>
          %add3A_580 = arith.addf %add3A_578, %mul3A_579 : vector<16xf32>
          %mul3A_581 = arith.mulf %gather3A_453, %get3A_208 : vector<16xf32>
          %add3A_582 = arith.addf %add3A_580, %mul3A_581 : vector<16xf32>
          %mul3A_583 = arith.mulf %gather3A_456, %get3A_248 : vector<16xf32>
          %add3A_584 = arith.addf %add3A_582, %mul3A_583 : vector<16xf32>
          %swap3A_585 = arith.index_cast %add3A_440 : i32 to index
          %swap3A_586 = arith.constant 96 : index
          %swap3A_587 = tpu.vector_load %arg24[%swap3A_585, %swap3A_586] {strides = array<i32>} : memref<512x128xf32, #tpu.memory_space<vmem>>, vector<1x16xf32>,
          %swap3A_588 = vector.shape_cast %swap3A_587 : vector<1x16xf32> to vector<16xf32>
          %swap3A_589 = vector.shape_cast %add3A_584 : vector<16xf32> to vector<1x16xf32>
          tpu.vector_store %arg24[%swap3A_585, %swap3A_586], %swap3A_589 {strides = array<i32>} : memref<512x128xf32, #tpu.memory_space<vmem>>, vector<1x16xf32>,
          %get3A_590 = arith.index_cast %add3A_440 : i32 to index
          %get3A_591 = arith.constant 112 : index
          %get3A_592 = tpu.vector_load %arg24[%get3A_590, %get3A_591] {strides = array<i32>} : memref<512x128xf32, #tpu.memory_space<vmem>>, vector<1x16xf32>,
          %get3A_593 = vector.shape_cast %get3A_592 : vector<1x16xf32> to vector<16xf32>
          %mul3A_594 = arith.mulf %gather3A_444, %get3A_93 : vector<16xf32>
          %add3A_595 = arith.addf %get3A_593, %mul3A_594 : vector<16xf32>
          %mul3A_596 = arith.mulf %gather3A_447, %get3A_133 : vector<16xf32>
          %add3A_597 = arith.addf %add3A_595, %mul3A_596 : vector<16xf32>
          %mul3A_598 = arith.mulf %gather3A_450, %get3A_173 : vector<16xf32>
          %add3A_599 = arith.addf %add3A_597, %mul3A_598 : vector<16xf32>
          %mul3A_600 = arith.mulf %gather3A_453, %get3A_213 : vector<16xf32>
          %add3A_601 = arith.addf %add3A_599, %mul3A_600 : vector<16xf32>
          %mul3A_602 = arith.mulf %gather3A_456, %get3A_253 : vector<16xf32>
          %add3A_603 = arith.addf %add3A_601, %mul3A_602 : vector<16xf32>
          %swap3A_604 = arith.index_cast %add3A_440 : i32 to index
          %swap3A_605 = arith.constant 112 : index
          %swap3A_606 = tpu.vector_load %arg24[%swap3A_604, %swap3A_605] {strides = array<i32>} : memref<512x128xf32, #tpu.memory_space<vmem>>, vector<1x16xf32>,
          %swap3A_607 = vector.shape_cast %swap3A_606 : vector<1x16xf32> to vector<16xf32>
          %swap3A_608 = vector.shape_cast %add3A_603 : vector<16xf32> to vector<1x16xf32>
          tpu.vector_store %arg24[%swap3A_604, %swap3A_605], %swap3A_608 {strides = array<i32>} : memref<512x128xf32, #tpu.memory_space<vmem>>, vector<1x16xf32>,
        }
        %scan3A_258 = arith.constant 16 : i32
      }
      %scan3A_32 = arith.constant 32 : i32
      "tpu.region"() ({
        %run_scoped3A = tpu.sem_alloc : memref<!tpu.dma_semaphore, #tpu.memory_space<semaphore_mem>>
        %dma_start3A_33 = arith.constant 0 : i32
        %dma_start3A_34 = tpu.memref_slice %arg13[%add3A_18, %dma_start3A_33] : memref<524288x128xf32, #tpu.memory_space<hbm>> -> memref<512x128xf32, #tpu.memory_space<hbm>>
        %dma_start3A_35 = arith.constant 0 : i32
        %dma_start3A_36 = tpu.memref_slice %arg13[%add3A_18, %dma_start3A_35] : memref<524288x128xf32, #tpu.memory_space<hbm>> -> memref<512x128xf32, #tpu.memory_space<hbm>>
        tpu.enqueue_dma source(%arg24 : memref<512x128xf32, #tpu.memory_space<vmem>>) target(%dma_start3A_36 : memref<512x128xf32, #tpu.memory_space<hbm>>) target_semaphore(%run_scoped3A : memref<!tpu.dma_semaphore, #tpu.memory_space<semaphore_mem>>)
        %dma_wait3A_37 = arith.constant 0 : i32
        %dma_wait3A_38 = tpu.memref_slice %arg13[%add3A_18, %dma_wait3A_37] : memref<524288x128xf32, #tpu.memory_space<hbm>> -> memref<512x128xf32, #tpu.memory_space<hbm>>
        %dma_wait3A_39 = arith.constant 0 : i32
        %dma_wait3A_40 = tpu.memref_slice %arg13[%add3A_18, %dma_wait3A_39] : memref<524288x128xf32, #tpu.memory_space<hbm>> -> memref<512x128xf32, #tpu.memory_space<hbm>>
        tpu.wait_dma2 semaphore(%run_scoped3A : memref<!tpu.dma_semaphore, #tpu.memory_space<semaphore_mem>>) src(%arg24 : memref<512x128xf32, #tpu.memory_space<vmem>>) dst(%dma_wait3A_40 : memref<512x128xf32, #tpu.memory_space<hbm>>)
        tpu.yield
      }) : () -> ()
    }
    %scan3A_6 = arith.constant 2 : i32
    return
  }
}

module attributes {stable_mosaic.version = 14 : i64} {
  func.func @_ftable_body(%arg0: memref<48x128xf32, #tpu.memory_space<vmem>>, %arg1: memref<9x128xf32, #tpu.memory_space<vmem>>, %arg2: memref<904x128xf32, #tpu.memory_space<vmem>>) attributes {dimension_semantics = [], scalar_prefetch = 0 : i64, scratch_operands = 0 : i64, tpu.core_type = #tpu.core_type<tc>} {
    %iota3A = tpu.iota {dimensions = array<i32: 0>} : vector<904x48xi32>
    %iota3A_0 = tpu.iota {dimensions = array<i32: 1>} : vector<904x48xi32>
    %jit3A = arith.constant 28 : i32
    %div3A = vector.broadcast %jit3A : i32 to vector<904x48xi32>
    %div3A_1 = arith.divsi %iota3A, %div3A : vector<904x48xi32>
    %sign3A = arith.constant 0 : i32
    %sign3A_2 = vector.broadcast %sign3A : i32 to vector<904x48xi32>
    %sign3A_3 = arith.cmpi sgt, %iota3A, %sign3A_2 : vector<904x48xi32>
    %sign3A_4 = arith.extui %sign3A_3 : vector<904x48xi1> to vector<904x48xi32>
    %sign3A_5 = arith.constant 0 : i32
    %sign3A_6 = vector.broadcast %sign3A_5 : i32 to vector<904x48xi32>
    %sign3A_7 = arith.cmpi slt, %iota3A, %sign3A_6 : vector<904x48xi32>
    %sign3A_8 = arith.extui %sign3A_7 : vector<904x48xi1> to vector<904x48xi32>
    %sign3A_9 = arith.subi %sign3A_4, %sign3A_8 : vector<904x48xi32>
    %sign3A_10 = arith.constant 0 : i32
    %sign3A_11 = arith.cmpi sgt, %jit3A, %sign3A_10 : i32
    %sign3A_12 = arith.extui %sign3A_11 : i1 to i32
    %sign3A_13 = arith.constant 0 : i32
    %sign3A_14 = arith.cmpi slt, %jit3A, %sign3A_13 : i32
    %sign3A_15 = arith.extui %sign3A_14 : i1 to i32
    %sign3A_16 = arith.subi %sign3A_12, %sign3A_15 : i32
    %ne3A = vector.broadcast %sign3A_16 : i32 to vector<904x48xi32>
    %ne3A_17 = arith.cmpi ne, %sign3A_9, %ne3A : vector<904x48xi32>
    %rem3A = vector.broadcast %jit3A : i32 to vector<904x48xi32>
    %rem3A_18 = arith.remsi %iota3A, %rem3A : vector<904x48xi32>
    %ne3A_19 = arith.constant 0 : i32
    %ne3A_20 = vector.broadcast %ne3A_19 : i32 to vector<904x48xi32>
    %ne3A_21 = arith.cmpi ne, %rem3A_18, %ne3A_20 : vector<904x48xi32>
    %and3A = arith.andi %ne3A_17, %ne3A_21 : vector<904x48xi1>
    %sub3A = arith.constant 1 : i32
    %sub3A_22 = vector.broadcast %sub3A : i32 to vector<904x48xi32>
    %sub3A_23 = arith.subi %div3A_1, %sub3A_22 : vector<904x48xi32>
    %select_n3A = arith.select %and3A, %sub3A_23, %div3A_1 : vector<904x48xi1>, vector<904x48xi32>
    %eq3A = arith.cmpi eq, %iota3A_0, %select_n3A : vector<904x48xi32>
    %jit3A_24 = arith.constant 28 : i32
    %eq3A_25 = arith.constant 0 : i32
    %eq3A_26 = arith.cmpi eq, %jit3A_24, %eq3A_25 : i32
    %jit3A_27 = arith.constant 1 : i32
    %select_n3A_28 = arith.select %eq3A_26, %jit3A_27, %jit3A_24 : i32
    %rem3A_29 = vector.broadcast %select_n3A_28 : i32 to vector<904x48xi32>
    %rem3A_30 = arith.remsi %iota3A, %rem3A_29 : vector<904x48xi32>
    %ne3A_31 = arith.constant 0 : i32
    %ne3A_32 = vector.broadcast %ne3A_31 : i32 to vector<904x48xi32>
    %ne3A_33 = arith.cmpi ne, %rem3A_30, %ne3A_32 : vector<904x48xi32>
    %lt3A = arith.constant 0 : i32
    %lt3A_34 = vector.broadcast %lt3A : i32 to vector<904x48xi32>
    %lt3A_35 = arith.cmpi slt, %rem3A_30, %lt3A_34 : vector<904x48xi32>
    %lt3A_36 = arith.constant 0 : i32
    %lt3A_37 = arith.cmpi slt, %select_n3A_28, %lt3A_36 : i32
    %ne3A_38 = vector.broadcast %lt3A_37 : i1 to vector<904x48xi1>
    %ne3A_39 = vector.broadcast %ne3A_38 : vector<904x48xi1> to vector<904x48xi1>
    %ne3A_40 = arith.xori %lt3A_35, %ne3A_39 : vector<904x48xi1>
    %and3A_41 = arith.andi %ne3A_40, %ne3A_33 : vector<904x48xi1>
    %add3A = vector.broadcast %select_n3A_28 : i32 to vector<904x48xi32>
    %add3A_42 = arith.addi %rem3A_30, %add3A : vector<904x48xi32>
    %select_n3A_43 = arith.select %and3A_41, %add3A_42, %rem3A_30 : vector<904x48xi1>, vector<904x48xi32>
    %jit3A_44 = arith.constant 4 : i32
    %div3A_45 = vector.broadcast %jit3A_44 : i32 to vector<904x48xi32>
    %div3A_46 = arith.divsi %select_n3A_43, %div3A_45 : vector<904x48xi32>
    %sign3A_47 = arith.constant 0 : i32
    %sign3A_48 = vector.broadcast %sign3A_47 : i32 to vector<904x48xi32>
    %sign3A_49 = arith.cmpi sgt, %select_n3A_43, %sign3A_48 : vector<904x48xi32>
    %sign3A_50 = arith.extui %sign3A_49 : vector<904x48xi1> to vector<904x48xi32>
    %sign3A_51 = arith.constant 0 : i32
    %sign3A_52 = vector.broadcast %sign3A_51 : i32 to vector<904x48xi32>
    %sign3A_53 = arith.cmpi slt, %select_n3A_43, %sign3A_52 : vector<904x48xi32>
    %sign3A_54 = arith.extui %sign3A_53 : vector<904x48xi1> to vector<904x48xi32>
    %sign3A_55 = arith.subi %sign3A_50, %sign3A_54 : vector<904x48xi32>
    %sign3A_56 = arith.constant 0 : i32
    %sign3A_57 = arith.cmpi sgt, %jit3A_44, %sign3A_56 : i32
    %sign3A_58 = arith.extui %sign3A_57 : i1 to i32
    %sign3A_59 = arith.constant 0 : i32
    %sign3A_60 = arith.cmpi slt, %jit3A_44, %sign3A_59 : i32
    %sign3A_61 = arith.extui %sign3A_60 : i1 to i32
    %sign3A_62 = arith.subi %sign3A_58, %sign3A_61 : i32
    %ne3A_63 = vector.broadcast %sign3A_62 : i32 to vector<904x48xi32>
    %ne3A_64 = arith.cmpi ne, %sign3A_55, %ne3A_63 : vector<904x48xi32>
    %rem3A_65 = vector.broadcast %jit3A_44 : i32 to vector<904x48xi32>
    %rem3A_66 = arith.remsi %select_n3A_43, %rem3A_65 : vector<904x48xi32>
    %ne3A_67 = arith.constant 0 : i32
    %ne3A_68 = vector.broadcast %ne3A_67 : i32 to vector<904x48xi32>
    %ne3A_69 = arith.cmpi ne, %rem3A_66, %ne3A_68 : vector<904x48xi32>
    %and3A_70 = arith.andi %ne3A_64, %ne3A_69 : vector<904x48xi1>
    %sub3A_71 = arith.constant 1 : i32
    %sub3A_72 = vector.broadcast %sub3A_71 : i32 to vector<904x48xi32>
    %sub3A_73 = arith.subi %div3A_46, %sub3A_72 : vector<904x48xi32>
    %select_n3A_74 = arith.select %and3A_70, %sub3A_73, %div3A_46 : vector<904x48xi1>, vector<904x48xi32>
    %add3A_75 = arith.constant 32 : i32
    %add3A_76 = vector.broadcast %add3A_75 : i32 to vector<904x48xi32>
    %add3A_77 = arith.addi %add3A_76, %select_n3A_74 : vector<904x48xi32>
    %eq3A_78 = arith.cmpi eq, %iota3A_0, %add3A_77 : vector<904x48xi32>
    %or3A = arith.ori %eq3A, %eq3A_78 : vector<904x48xi1>
    %jit3A_79 = arith.constant 4 : i32
    %eq3A_80 = arith.constant 0 : i32
    %eq3A_81 = arith.cmpi eq, %jit3A_79, %eq3A_80 : i32
    %jit3A_82 = arith.constant 1 : i32
    %select_n3A_83 = arith.select %eq3A_81, %jit3A_82, %jit3A_79 : i32
    %rem3A_84 = vector.broadcast %select_n3A_83 : i32 to vector<904x48xi32>
    %rem3A_85 = arith.remsi %iota3A, %rem3A_84 : vector<904x48xi32>
    %ne3A_86 = arith.constant 0 : i32
    %ne3A_87 = vector.broadcast %ne3A_86 : i32 to vector<904x48xi32>
    %ne3A_88 = arith.cmpi ne, %rem3A_85, %ne3A_87 : vector<904x48xi32>
    %lt3A_89 = arith.constant 0 : i32
    %lt3A_90 = vector.broadcast %lt3A_89 : i32 to vector<904x48xi32>
    %lt3A_91 = arith.cmpi slt, %rem3A_85, %lt3A_90 : vector<904x48xi32>
    %lt3A_92 = arith.constant 0 : i32
    %lt3A_93 = arith.cmpi slt, %select_n3A_83, %lt3A_92 : i32
    %ne3A_94 = vector.broadcast %lt3A_93 : i1 to vector<904x48xi1>
    %ne3A_95 = vector.broadcast %ne3A_94 : vector<904x48xi1> to vector<904x48xi1>
    %ne3A_96 = arith.xori %lt3A_91, %ne3A_95 : vector<904x48xi1>
    %and3A_97 = arith.andi %ne3A_96, %ne3A_88 : vector<904x48xi1>
    %add3A_98 = vector.broadcast %select_n3A_83 : i32 to vector<904x48xi32>
    %add3A_99 = arith.addi %rem3A_85, %add3A_98 : vector<904x48xi32>
    %select_n3A_100 = arith.select %and3A_97, %add3A_99, %rem3A_85 : vector<904x48xi1>, vector<904x48xi32>
    %add3A_101 = arith.constant 39 : i32
    %add3A_102 = vector.broadcast %add3A_101 : i32 to vector<904x48xi32>
    %add3A_103 = arith.addi %add3A_102, %select_n3A_100 : vector<904x48xi32>
    %eq3A_104 = arith.cmpi eq, %iota3A_0, %add3A_103 : vector<904x48xi32>
    %or3A_105 = arith.ori %or3A, %eq3A_104 : vector<904x48xi1>
    %lt3A_106 = arith.constant 896 : i32
    %lt3A_107 = vector.broadcast %lt3A_106 : i32 to vector<904x48xi32>
    %lt3A_108 = arith.cmpi slt, %iota3A, %lt3A_107 : vector<904x48xi32>
    %and3A_109 = arith.andi %or3A_105, %lt3A_108 : vector<904x48xi1>
    %convert_element_type3A = arith.extui %and3A_109 : vector<904x48xi1> to vector<904x48xi32>
    %convert_element_type3A_110 = arith.sitofp %convert_element_type3A : vector<904x48xi32> to vector<904x48xf32>
    %get3A = arith.constant 0 : index
    %get3A_111 = arith.constant 0 : index
    %get3A_112 = vector.load %arg0[%get3A, %get3A_111] : memref<48x128xf32, #tpu.memory_space<vmem>>, vector<48x128xf32>
    %dot_general3A = arith.constant dense<0.000000e+00> : vector<904x128xf32>
    %dot_general3A_113 = tpu.matmul %convert_element_type3A_110, %get3A_112, %dot_general3A {dimension_numbers = #tpu.dot_dimension_numbers<[1], [0], [0], [1], [0, 0, 1, 1], [], []>, transpose_lhs_hint = false} : vector<904x48xf32>, vector<48x128xf32>, vector<904x128xf32> -> vector<904x128xf32>
    %get3A_114 = arith.constant 0 : index
    %get3A_115 = arith.constant 0 : index
    %get3A_116 = vector.load %arg1[%get3A_114, %get3A_115] : memref<9x128xf32, #tpu.memory_space<vmem>>, vector<9x128xf32>
    %reduce_sum3A = arith.constant dense<0.000000e+00> : vector<128xf32>
    %reduce_sum3A_117 = vector.multi_reduction <add>, %get3A_116, %reduce_sum3A [0] : vector<9x128xf32> to vector<128xf32>
    %broadcast_in_dim3A = vector.shape_cast %reduce_sum3A_117 : vector<128xf32> to vector<1x128xf32>
    %iota3A_118 = tpu.iota {dimensions = array<i32: 0>} : vector<904x1xi32>
    %eq3A_119 = arith.constant 896 : i32
    %eq3A_120 = vector.broadcast %eq3A_119 : i32 to vector<904x1xi32>
    %eq3A_121 = arith.cmpi eq, %iota3A_118, %eq3A_120 : vector<904x1xi32>
    %jit3A_122 = arith.constant 1.000000e+00 : f32
    %jit3A_123 = arith.constant 0.000000e+00 : f32
    %broadcast_in_dim3A_124 = vector.broadcast %jit3A_122 : f32 to vector<904x1xf32>
    %broadcast_in_dim3A_125 = vector.broadcast %jit3A_123 : f32 to vector<904x1xf32>
    %select_n3A_126 = arith.select %eq3A_121, %broadcast_in_dim3A_124, %broadcast_in_dim3A_125 : vector<904x1xi1>, vector<904x1xf32>
    %mul3A = vector.broadcast %select_n3A_126 : vector<904x1xf32> to vector<904x128xf32>
    %mul3A_127 = vector.broadcast %broadcast_in_dim3A : vector<1x128xf32> to vector<904x128xf32>
    %mul3A_128 = arith.mulf %mul3A, %mul3A_127 : vector<904x128xf32>
    %add3A_129 = arith.addf %dot_general3A_113, %mul3A_128 : vector<904x128xf32>
    %swap3A = arith.constant 0 : index
    %swap3A_130 = arith.constant 0 : index
    %swap3A_131 = vector.load %arg2[%swap3A, %swap3A_130] : memref<904x128xf32, #tpu.memory_space<vmem>>, vector<904x128xf32>
    tpu.vector_store %arg2[%swap3A, %swap3A_130], %add3A_129 {strides = array<i32>} : memref<904x128xf32, #tpu.memory_space<vmem>>, vector<904x128xf32>,
    return
  }
}

module attributes {stable_mosaic.version = 14 : i64} {
  func.func @_tc_body(%arg0: i32, %arg1: memref<8x512xi32, #tpu.memory_space<vmem>>, %arg2: memref<8x512xi32, #tpu.memory_space<vmem>>, %arg3: memref<8x512xi32, #tpu.memory_space<vmem>>, %arg4: memref<8x512xf32, #tpu.memory_space<vmem>>, %arg5: memref<8x512xf32, #tpu.memory_space<vmem>>, %arg6: memref<8x512xf32, #tpu.memory_space<vmem>>, %arg7: memref<8x512xf32, #tpu.memory_space<vmem>>, %arg8: memref<8x512xf32, #tpu.memory_space<vmem>>, %arg9: memref<8x512xi32, #tpu.memory_space<vmem>>, %arg10: memref<64x128xf32, #tpu.memory_space<vmem>>, %arg11: memref<8x128xf32, #tpu.memory_space<vmem>>, %arg12: memref<4096x128xf32, #tpu.memory_space<vmem>>) attributes {dimension_semantics = [#tpu.dimension_semantics<arbitrary>], iteration_bounds = array<i64: 120>, scalar_prefetch = 0 : i64, scratch_operands = 0 : i64, tpu.core_type = #tpu.core_type<tc>, window_params = [{transform_indices = @transform_0, window_bounds = array<i64: 8, 512>}, {transform_indices = @transform_1, window_bounds = array<i64: 8, 512>}, {transform_indices = @transform_2, window_bounds = array<i64: 8, 512>}, {transform_indices = @transform_3, window_bounds = array<i64: 8, 512>}, {transform_indices = @transform_4, window_bounds = array<i64: 8, 512>}, {transform_indices = @transform_5, window_bounds = array<i64: 8, 512>}, {transform_indices = @transform_6, window_bounds = array<i64: 8, 512>}, {transform_indices = @transform_7, window_bounds = array<i64: 8, 512>}, {transform_indices = @transform_8, window_bounds = array<i64: 8, 512>}, {pipeline_mode = #tpu.pipeline_mode<synchronous>, transform_indices = @transform_9, window_bounds = array<i64: 64, 128>}, {transform_indices = @transform_10, window_bounds = array<i64: 8, 128>}, {transform_indices = @transform_11, window_bounds = array<i64: 4096, 128>}]} {
    %get3A = arith.constant 0 : index
    %get3A_0 = arith.constant 0 : index
    %get3A_1 = vector.load %arg10[%get3A, %get3A_0] : memref<64x128xf32, #tpu.memory_space<vmem>>, vector<64x128xf32>
    %iota3A = tpu.iota {dimensions = array<i32: 0>} : vector<43x512xi32>
    %get3A_2 = arith.constant 0 : index
    %get3A_3 = arith.constant 0 : index
    %get3A_4 = vector.load %arg1[%get3A_2, %get3A_3] : memref<8x512xi32, #tpu.memory_space<vmem>>, vector<1x512xi32>
    %get3A_5 = arith.constant 0 : index
    %get3A_6 = arith.constant 0 : index
    %get3A_7 = vector.load %arg2[%get3A_5, %get3A_6] : memref<8x512xi32, #tpu.memory_space<vmem>>, vector<1x512xi32>
    %get3A_8 = arith.constant 0 : index
    %get3A_9 = arith.constant 0 : index
    %get3A_10 = vector.load %arg3[%get3A_8, %get3A_9] : memref<8x512xi32, #tpu.memory_space<vmem>>, vector<1x512xi32>
    %eq3A = vector.broadcast %get3A_4 : vector<1x512xi32> to vector<43x512xi32>
    %eq3A_11 = arith.cmpi eq, %iota3A, %eq3A : vector<43x512xi32>
    %add3A = arith.constant 32 : i32
    %add3A_12 = vector.broadcast %add3A : i32 to vector<1x512xi32>
    %add3A_13 = arith.addi %get3A_7, %add3A_12 : vector<1x512xi32>
    %eq3A_14 = vector.broadcast %add3A_13 : vector<1x512xi32> to vector<43x512xi32>
    %eq3A_15 = arith.cmpi eq, %iota3A, %eq3A_14 : vector<43x512xi32>
    %or3A = arith.ori %eq3A_11, %eq3A_15 : vector<43x512xi1>
    %add3A_16 = arith.constant 39 : i32
    %add3A_17 = vector.broadcast %add3A_16 : i32 to vector<1x512xi32>
    %add3A_18 = arith.addi %get3A_10, %add3A_17 : vector<1x512xi32>
    %eq3A_19 = vector.broadcast %add3A_18 : vector<1x512xi32> to vector<43x512xi32>
    %eq3A_20 = arith.cmpi eq, %iota3A, %eq3A_19 : vector<43x512xi32>
    %or3A_21 = arith.ori %or3A, %eq3A_20 : vector<43x512xi1>
    %get3A_22 = arith.constant 0 : index
    %get3A_23 = arith.constant 0 : index
    %get3A_24 = vector.load %arg9[%get3A_22, %get3A_23] : memref<8x512xi32, #tpu.memory_space<vmem>>, vector<1x512xi32>
    %ne3A = arith.constant 0 : i32
    %ne3A_25 = vector.broadcast %ne3A : i32 to vector<1x512xi32>
    %ne3A_26 = arith.cmpi ne, %get3A_24, %ne3A_25 : vector<1x512xi32>
    %convert_element_type3A = arith.extui %ne3A_26 : vector<1x512xi1> to vector<1x512xi32>
    %convert_element_type3A_27 = arith.sitofp %convert_element_type3A : vector<1x512xi32> to vector<1x512xf32>
    %sub3A = arith.constant 1.000000e+00 : f32
    %sub3A_28 = vector.broadcast %sub3A : f32 to vector<1x512xf32>
    %sub3A_29 = arith.subf %sub3A_28, %convert_element_type3A_27 : vector<1x512xf32>
    %convert_element_type3A_30 = arith.extui %or3A_21 : vector<43x512xi1> to vector<43x512xi32>
    %convert_element_type3A_31 = arith.sitofp %convert_element_type3A_30 : vector<43x512xi32> to vector<43x512xf32>
    %mul3A = vector.broadcast %sub3A_29 : vector<1x512xf32> to vector<43x512xf32>
    %mul3A_32 = arith.mulf %convert_element_type3A_31, %mul3A : vector<43x512xf32>
    %get3A_33 = arith.constant 0 : index
    %get3A_34 = arith.constant 0 : index
    %get3A_35 = vector.load %arg4[%get3A_33, %get3A_34] : memref<8x512xf32, #tpu.memory_space<vmem>>, vector<1x512xf32>
    %mul3A_36 = arith.mulf %get3A_35, %sub3A_29 : vector<1x512xf32>
    %get3A_37 = arith.constant 0 : index
    %get3A_38 = arith.constant 0 : index
    %get3A_39 = vector.load %arg5[%get3A_37, %get3A_38] : memref<8x512xf32, #tpu.memory_space<vmem>>, vector<1x512xf32>
    %mul3A_40 = arith.mulf %get3A_39, %sub3A_29 : vector<1x512xf32>
    %get3A_41 = arith.constant 0 : index
    %get3A_42 = arith.constant 0 : index
    %get3A_43 = vector.load %arg6[%get3A_41, %get3A_42] : memref<8x512xf32, #tpu.memory_space<vmem>>, vector<1x512xf32>
    %div3A = arith.constant 1.800000e+02 : f32
    %div3A_44 = vector.broadcast %div3A : f32 to vector<1x512xf32>
    %div3A_45 = arith.divf %get3A_43, %div3A_44 : vector<1x512xf32>
    %abs3A = math.absf %div3A_45 : vector<1x512xf32>
    %eq3A_46 = arith.constant 0x7F800000 : f32
    %eq3A_47 = vector.broadcast %eq3A_46 : f32 to vector<1x512xf32>
    %eq3A_48 = arith.cmpf oeq, %abs3A, %eq3A_47 : vector<1x512xf32>
    %jit3A = arith.constant 0.000000e+00 : f32
    %broadcast_in_dim3A = vector.broadcast %jit3A : f32 to vector<1x512xf32>
    %select_n3A = arith.select %eq3A_48, %broadcast_in_dim3A, %div3A_45 : vector<1x512xi1>, vector<1x512xf32>
    %mul3A_49 = arith.mulf %select_n3A, %sub3A_29 : vector<1x512xf32>
    %get3A_50 = arith.constant 0 : index
    %get3A_51 = arith.constant 0 : index
    %get3A_52 = vector.load %arg7[%get3A_50, %get3A_51] : memref<8x512xf32, #tpu.memory_space<vmem>>, vector<1x512xf32>
    %div3A_53 = arith.constant 1.800000e+02 : f32
    %div3A_54 = vector.broadcast %div3A_53 : f32 to vector<1x512xf32>
    %div3A_55 = arith.divf %get3A_52, %div3A_54 : vector<1x512xf32>
    %abs3A_56 = math.absf %div3A_55 : vector<1x512xf32>
    %eq3A_57 = arith.constant 0x7F800000 : f32
    %eq3A_58 = vector.broadcast %eq3A_57 : f32 to vector<1x512xf32>
    %eq3A_59 = arith.cmpf oeq, %abs3A_56, %eq3A_58 : vector<1x512xf32>
    %jit3A_60 = arith.constant 0.000000e+00 : f32
    %broadcast_in_dim3A_61 = vector.broadcast %jit3A_60 : f32 to vector<1x512xf32>
    %select_n3A_62 = arith.select %eq3A_59, %broadcast_in_dim3A_61, %div3A_55 : vector<1x512xi1>, vector<1x512xf32>
    %mul3A_63 = arith.mulf %select_n3A_62, %sub3A_29 : vector<1x512xf32>
    %get3A_64 = arith.constant 0 : index
    %get3A_65 = arith.constant 0 : index
    %get3A_66 = vector.load %arg8[%get3A_64, %get3A_65] : memref<8x512xf32, #tpu.memory_space<vmem>>, vector<1x512xf32>
    %div3A_67 = arith.constant 1.800000e+02 : f32
    %div3A_68 = vector.broadcast %div3A_67 : f32 to vector<1x512xf32>
    %div3A_69 = arith.divf %get3A_66, %div3A_68 : vector<1x512xf32>
    %abs3A_70 = math.absf %div3A_69 : vector<1x512xf32>
    %eq3A_71 = arith.constant 0x7F800000 : f32
    %eq3A_72 = vector.broadcast %eq3A_71 : f32 to vector<1x512xf32>
    %eq3A_73 = arith.cmpf oeq, %abs3A_70, %eq3A_72 : vector<1x512xf32>
    %jit3A_74 = arith.constant 0.000000e+00 : f32
    %broadcast_in_dim3A_75 = vector.broadcast %jit3A_74 : f32 to vector<1x512xf32>
    %select_n3A_76 = arith.select %eq3A_73, %broadcast_in_dim3A_75, %div3A_69 : vector<1x512xi1>, vector<1x512xf32>
    %mul3A_77 = arith.mulf %select_n3A_76, %sub3A_29 : vector<1x512xf32>
    %broadcast_in_dim3A_78 = vector.shape_cast %convert_element_type3A_27 : vector<1x512xf32> to vector<1x512xf32>
    %broadcast_in_dim3A_79 = vector.broadcast %broadcast_in_dim3A_78 : vector<1x512xf32> to vector<9x512xf32>
    %broadcast_in_dim3A_80 = arith.constant 0.000000e+00 : f32
    %broadcast_in_dim3A_81 = vector.broadcast %broadcast_in_dim3A_80 : f32 to vector<7x512xf32>
    %concatenate3A = tpu.concatenate %mul3A_32, %mul3A_36, %mul3A_40, %mul3A_49, %mul3A_63, %mul3A_77, %broadcast_in_dim3A_79, %broadcast_in_dim3A_81 in 0 : vector<43x512xf32>, vector<1x512xf32>, vector<1x512xf32>, vector<1x512xf32>, vector<1x512xf32>, vector<1x512xf32>, vector<9x512xf32>, vector<7x512xf32> -> vector<64x512xf32>
    %dot_general3A = arith.constant dense<0.000000e+00> : vector<512x128xf32>
    %dot_general3A_82 = tpu.matmul %concatenate3A, %get3A_1, %dot_general3A {dimension_numbers = #tpu.dot_dimension_numbers<[0], [0], [1], [1], [0, 1, 1, 1], [], []>, transpose_lhs_hint = false} : vector<64x512xf32>, vector<64x128xf32>, vector<512x128xf32> -> vector<512x128xf32>
    %swap3A = arith.constant 0 : index
    %swap3A_83 = arith.constant 0 : index
    %swap3A_84 = vector.load %arg12[%swap3A, %swap3A_83] : memref<4096x128xf32, #tpu.memory_space<vmem>>, vector<512x128xf32>
    tpu.vector_store %arg12[%swap3A, %swap3A_83], %dot_general3A_82 {strides = array<i32>} : memref<4096x128xf32, #tpu.memory_space<vmem>>, vector<512x128xf32>,
    %get3A_85 = arith.constant 1 : index
    %get3A_86 = arith.constant 0 : index
    %get3A_87 = vector.load %arg1[%get3A_85, %get3A_86] : memref<8x512xi32, #tpu.memory_space<vmem>>, vector<1x512xi32>
    %get3A_88 = arith.constant 1 : index
    %get3A_89 = arith.constant 0 : index
    %get3A_90 = vector.load %arg2[%get3A_88, %get3A_89] : memref<8x512xi32, #tpu.memory_space<vmem>>, vector<1x512xi32>
    %get3A_91 = arith.constant 1 : index
    %get3A_92 = arith.constant 0 : index
    %get3A_93 = vector.load %arg3[%get3A_91, %get3A_92] : memref<8x512xi32, #tpu.memory_space<vmem>>, vector<1x512xi32>
    %eq3A_94 = vector.broadcast %get3A_87 : vector<1x512xi32> to vector<43x512xi32>
    %eq3A_95 = arith.cmpi eq, %iota3A, %eq3A_94 : vector<43x512xi32>
    %add3A_96 = arith.constant 32 : i32
    %add3A_97 = vector.broadcast %add3A_96 : i32 to vector<1x512xi32>
    %add3A_98 = arith.addi %get3A_90, %add3A_97 : vector<1x512xi32>
    %eq3A_99 = vector.broadcast %add3A_98 : vector<1x512xi32> to vector<43x512xi32>
    %eq3A_100 = arith.cmpi eq, %iota3A, %eq3A_99 : vector<43x512xi32>
    %or3A_101 = arith.ori %eq3A_95, %eq3A_100 : vector<43x512xi1>
    %add3A_102 = arith.constant 39 : i32
    %add3A_103 = vector.broadcast %add3A_102 : i32 to vector<1x512xi32>
    %add3A_104 = arith.addi %get3A_93, %add3A_103 : vector<1x512xi32>
    %eq3A_105 = vector.broadcast %add3A_104 : vector<1x512xi32> to vector<43x512xi32>
    %eq3A_106 = arith.cmpi eq, %iota3A, %eq3A_105 : vector<43x512xi32>
    %or3A_107 = arith.ori %or3A_101, %eq3A_106 : vector<43x512xi1>
    %get3A_108 = arith.constant 1 : index
    %get3A_109 = arith.constant 0 : index
    %get3A_110 = vector.load %arg9[%get3A_108, %get3A_109] : memref<8x512xi32, #tpu.memory_space<vmem>>, vector<1x512xi32>
    %ne3A_111 = arith.constant 0 : i32
    %ne3A_112 = vector.broadcast %ne3A_111 : i32 to vector<1x512xi32>
    %ne3A_113 = arith.cmpi ne, %get3A_110, %ne3A_112 : vector<1x512xi32>
    %convert_element_type3A_114 = arith.extui %ne3A_113 : vector<1x512xi1> to vector<1x512xi32>
    %convert_element_type3A_115 = arith.sitofp %convert_element_type3A_114 : vector<1x512xi32> to vector<1x512xf32>
    %sub3A_116 = arith.constant 1.000000e+00 : f32
    %sub3A_117 = vector.broadcast %sub3A_116 : f32 to vector<1x512xf32>
    %sub3A_118 = arith.subf %sub3A_117, %convert_element_type3A_115 : vector<1x512xf32>
    %convert_element_type3A_119 = arith.extui %or3A_107 : vector<43x512xi1> to vector<43x512xi32>
    %convert_element_type3A_120 = arith.sitofp %convert_element_type3A_119 : vector<43x512xi32> to vector<43x512xf32>
    %mul3A_121 = vector.broadcast %sub3A_118 : vector<1x512xf32> to vector<43x512xf32>
    %mul3A_122 = arith.mulf %convert_element_type3A_120, %mul3A_121 : vector<43x512xf32>
    %get3A_123 = arith.constant 1 : index
    %get3A_124 = arith.constant 0 : index
    %get3A_125 = vector.load %arg4[%get3A_123, %get3A_124] : memref<8x512xf32, #tpu.memory_space<vmem>>, vector<1x512xf32>
    %mul3A_126 = arith.mulf %get3A_125, %sub3A_118 : vector<1x512xf32>
    %get3A_127 = arith.constant 1 : index
    %get3A_128 = arith.constant 0 : index
    %get3A_129 = vector.load %arg5[%get3A_127, %get3A_128] : memref<8x512xf32, #tpu.memory_space<vmem>>, vector<1x512xf32>
    %mul3A_130 = arith.mulf %get3A_129, %sub3A_118 : vector<1x512xf32>
    %get3A_131 = arith.constant 1 : index
    %get3A_132 = arith.constant 0 : index
    %get3A_133 = vector.load %arg6[%get3A_131, %get3A_132] : memref<8x512xf32, #tpu.memory_space<vmem>>, vector<1x512xf32>
    %div3A_134 = arith.constant 1.800000e+02 : f32
    %div3A_135 = vector.broadcast %div3A_134 : f32 to vector<1x512xf32>
    %div3A_136 = arith.divf %get3A_133, %div3A_135 : vector<1x512xf32>
    %abs3A_137 = math.absf %div3A_136 : vector<1x512xf32>
    %eq3A_138 = arith.constant 0x7F800000 : f32
    %eq3A_139 = vector.broadcast %eq3A_138 : f32 to vector<1x512xf32>
    %eq3A_140 = arith.cmpf oeq, %abs3A_137, %eq3A_139 : vector<1x512xf32>
    %jit3A_141 = arith.constant 0.000000e+00 : f32
    %broadcast_in_dim3A_142 = vector.broadcast %jit3A_141 : f32 to vector<1x512xf32>
    %select_n3A_143 = arith.select %eq3A_140, %broadcast_in_dim3A_142, %div3A_136 : vector<1x512xi1>, vector<1x512xf32>
    %mul3A_144 = arith.mulf %select_n3A_143, %sub3A_118 : vector<1x512xf32>
    %get3A_145 = arith.constant 1 : index
    %get3A_146 = arith.constant 0 : index
    %get3A_147 = vector.load %arg7[%get3A_145, %get3A_146] : memref<8x512xf32, #tpu.memory_space<vmem>>, vector<1x512xf32>
    %div3A_148 = arith.constant 1.800000e+02 : f32
    %div3A_149 = vector.broadcast %div3A_148 : f32 to vector<1x512xf32>
    %div3A_150 = arith.divf %get3A_147, %div3A_149 : vector<1x512xf32>
    %abs3A_151 = math.absf %div3A_150 : vector<1x512xf32>
    %eq3A_152 = arith.constant 0x7F800000 : f32
    %eq3A_153 = vector.broadcast %eq3A_152 : f32 to vector<1x512xf32>
    %eq3A_154 = arith.cmpf oeq, %abs3A_151, %eq3A_153 : vector<1x512xf32>
    %jit3A_155 = arith.constant 0.000000e+00 : f32
    %broadcast_in_dim3A_156 = vector.broadcast %jit3A_155 : f32 to vector<1x512xf32>
    %select_n3A_157 = arith.select %eq3A_154, %broadcast_in_dim3A_156, %div3A_150 : vector<1x512xi1>, vector<1x512xf32>
    %mul3A_158 = arith.mulf %select_n3A_157, %sub3A_118 : vector<1x512xf32>
    %get3A_159 = arith.constant 1 : index
    %get3A_160 = arith.constant 0 : index
    %get3A_161 = vector.load %arg8[%get3A_159, %get3A_160] : memref<8x512xf32, #tpu.memory_space<vmem>>, vector<1x512xf32>
    %div3A_162 = arith.constant 1.800000e+02 : f32
    %div3A_163 = vector.broadcast %div3A_162 : f32 to vector<1x512xf32>
    %div3A_164 = arith.divf %get3A_161, %div3A_163 : vector<1x512xf32>
    %abs3A_165 = math.absf %div3A_164 : vector<1x512xf32>
    %eq3A_166 = arith.constant 0x7F800000 : f32
    %eq3A_167 = vector.broadcast %eq3A_166 : f32 to vector<1x512xf32>
    %eq3A_168 = arith.cmpf oeq, %abs3A_165, %eq3A_167 : vector<1x512xf32>
    %jit3A_169 = arith.constant 0.000000e+00 : f32
    %broadcast_in_dim3A_170 = vector.broadcast %jit3A_169 : f32 to vector<1x512xf32>
    %select_n3A_171 = arith.select %eq3A_168, %broadcast_in_dim3A_170, %div3A_164 : vector<1x512xi1>, vector<1x512xf32>
    %mul3A_172 = arith.mulf %select_n3A_171, %sub3A_118 : vector<1x512xf32>
    %broadcast_in_dim3A_173 = vector.shape_cast %convert_element_type3A_115 : vector<1x512xf32> to vector<1x512xf32>
    %broadcast_in_dim3A_174 = vector.broadcast %broadcast_in_dim3A_173 : vector<1x512xf32> to vector<9x512xf32>
    %broadcast_in_dim3A_175 = arith.constant 0.000000e+00 : f32
    %broadcast_in_dim3A_176 = vector.broadcast %broadcast_in_dim3A_175 : f32 to vector<7x512xf32>
    %concatenate3A_177 = tpu.concatenate %mul3A_122, %mul3A_126, %mul3A_130, %mul3A_144, %mul3A_158, %mul3A_172, %broadcast_in_dim3A_174, %broadcast_in_dim3A_176 in 0 : vector<43x512xf32>, vector<1x512xf32>, vector<1x512xf32>, vector<1x512xf32>, vector<1x512xf32>, vector<1x512xf32>, vector<9x512xf32>, vector<7x512xf32> -> vector<64x512xf32>
    %dot_general3A_178 = arith.constant dense<0.000000e+00> : vector<512x128xf32>
    %dot_general3A_179 = tpu.matmul %concatenate3A_177, %get3A_1, %dot_general3A_178 {dimension_numbers = #tpu.dot_dimension_numbers<[0], [0], [1], [1], [0, 1, 1, 1], [], []>, transpose_lhs_hint = false} : vector<64x512xf32>, vector<64x128xf32>, vector<512x128xf32> -> vector<512x128xf32>
    %swap3A_180 = arith.constant 512 : index
    %swap3A_181 = arith.constant 0 : index
    %swap3A_182 = vector.load %arg12[%swap3A_180, %swap3A_181] : memref<4096x128xf32, #tpu.memory_space<vmem>>, vector<512x128xf32>
    tpu.vector_store %arg12[%swap3A_180, %swap3A_181], %dot_general3A_179 {strides = array<i32>} : memref<4096x128xf32, #tpu.memory_space<vmem>>, vector<512x128xf32>,
    %get3A_183 = arith.constant 2 : index
    %get3A_184 = arith.constant 0 : index
    %get3A_185 = vector.load %arg1[%get3A_183, %get3A_184] : memref<8x512xi32, #tpu.memory_space<vmem>>, vector<1x512xi32>
    %get3A_186 = arith.constant 2 : index
    %get3A_187 = arith.constant 0 : index
    %get3A_188 = vector.load %arg2[%get3A_186, %get3A_187] : memref<8x512xi32, #tpu.memory_space<vmem>>, vector<1x512xi32>
    %get3A_189 = arith.constant 2 : index
    %get3A_190 = arith.constant 0 : index
    %get3A_191 = vector.load %arg3[%get3A_189, %get3A_190] : memref<8x512xi32, #tpu.memory_space<vmem>>, vector<1x512xi32>
    %eq3A_192 = vector.broadcast %get3A_185 : vector<1x512xi32> to vector<43x512xi32>
    %eq3A_193 = arith.cmpi eq, %iota3A, %eq3A_192 : vector<43x512xi32>
    %add3A_194 = arith.constant 32 : i32
    %add3A_195 = vector.broadcast %add3A_194 : i32 to vector<1x512xi32>
    %add3A_196 = arith.addi %get3A_188, %add3A_195 : vector<1x512xi32>
    %eq3A_197 = vector.broadcast %add3A_196 : vector<1x512xi32> to vector<43x512xi32>
    %eq3A_198 = arith.cmpi eq, %iota3A, %eq3A_197 : vector<43x512xi32>
    %or3A_199 = arith.ori %eq3A_193, %eq3A_198 : vector<43x512xi1>
    %add3A_200 = arith.constant 39 : i32
    %add3A_201 = vector.broadcast %add3A_200 : i32 to vector<1x512xi32>
    %add3A_202 = arith.addi %get3A_191, %add3A_201 : vector<1x512xi32>
    %eq3A_203 = vector.broadcast %add3A_202 : vector<1x512xi32> to vector<43x512xi32>
    %eq3A_204 = arith.cmpi eq, %iota3A, %eq3A_203 : vector<43x512xi32>
    %or3A_205 = arith.ori %or3A_199, %eq3A_204 : vector<43x512xi1>
    %get3A_206 = arith.constant 2 : index
    %get3A_207 = arith.constant 0 : index
    %get3A_208 = vector.load %arg9[%get3A_206, %get3A_207] : memref<8x512xi32, #tpu.memory_space<vmem>>, vector<1x512xi32>
    %ne3A_209 = arith.constant 0 : i32
    %ne3A_210 = vector.broadcast %ne3A_209 : i32 to vector<1x512xi32>
    %ne3A_211 = arith.cmpi ne, %get3A_208, %ne3A_210 : vector<1x512xi32>
    %convert_element_type3A_212 = arith.extui %ne3A_211 : vector<1x512xi1> to vector<1x512xi32>
    %convert_element_type3A_213 = arith.sitofp %convert_element_type3A_212 : vector<1x512xi32> to vector<1x512xf32>
    %sub3A_214 = arith.constant 1.000000e+00 : f32
    %sub3A_215 = vector.broadcast %sub3A_214 : f32 to vector<1x512xf32>
    %sub3A_216 = arith.subf %sub3A_215, %convert_element_type3A_213 : vector<1x512xf32>
    %convert_element_type3A_217 = arith.extui %or3A_205 : vector<43x512xi1> to vector<43x512xi32>
    %convert_element_type3A_218 = arith.sitofp %convert_element_type3A_217 : vector<43x512xi32> to vector<43x512xf32>
    %mul3A_219 = vector.broadcast %sub3A_216 : vector<1x512xf32> to vector<43x512xf32>
    %mul3A_220 = arith.mulf %convert_element_type3A_218, %mul3A_219 : vector<43x512xf32>
    %get3A_221 = arith.constant 2 : index
    %get3A_222 = arith.constant 0 : index
    %get3A_223 = vector.load %arg4[%get3A_221, %get3A_222] : memref<8x512xf32, #tpu.memory_space<vmem>>, vector<1x512xf32>
    %mul3A_224 = arith.mulf %get3A_223, %sub3A_216 : vector<1x512xf32>
    %get3A_225 = arith.constant 2 : index
    %get3A_226 = arith.constant 0 : index
    %get3A_227 = vector.load %arg5[%get3A_225, %get3A_226] : memref<8x512xf32, #tpu.memory_space<vmem>>, vector<1x512xf32>
    %mul3A_228 = arith.mulf %get3A_227, %sub3A_216 : vector<1x512xf32>
    %get3A_229 = arith.constant 2 : index
    %get3A_230 = arith.constant 0 : index
    %get3A_231 = vector.load %arg6[%get3A_229, %get3A_230] : memref<8x512xf32, #tpu.memory_space<vmem>>, vector<1x512xf32>
    %div3A_232 = arith.constant 1.800000e+02 : f32
    %div3A_233 = vector.broadcast %div3A_232 : f32 to vector<1x512xf32>
    %div3A_234 = arith.divf %get3A_231, %div3A_233 : vector<1x512xf32>
    %abs3A_235 = math.absf %div3A_234 : vector<1x512xf32>
    %eq3A_236 = arith.constant 0x7F800000 : f32
    %eq3A_237 = vector.broadcast %eq3A_236 : f32 to vector<1x512xf32>
    %eq3A_238 = arith.cmpf oeq, %abs3A_235, %eq3A_237 : vector<1x512xf32>
    %jit3A_239 = arith.constant 0.000000e+00 : f32
    %broadcast_in_dim3A_240 = vector.broadcast %jit3A_239 : f32 to vector<1x512xf32>
    %select_n3A_241 = arith.select %eq3A_238, %broadcast_in_dim3A_240, %div3A_234 : vector<1x512xi1>, vector<1x512xf32>
    %mul3A_242 = arith.mulf %select_n3A_241, %sub3A_216 : vector<1x512xf32>
    %get3A_243 = arith.constant 2 : index
    %get3A_244 = arith.constant 0 : index
    %get3A_245 = vector.load %arg7[%get3A_243, %get3A_244] : memref<8x512xf32, #tpu.memory_space<vmem>>, vector<1x512xf32>
    %div3A_246 = arith.constant 1.800000e+02 : f32
    %div3A_247 = vector.broadcast %div3A_246 : f32 to vector<1x512xf32>
    %div3A_248 = arith.divf %get3A_245, %div3A_247 : vector<1x512xf32>
    %abs3A_249 = math.absf %div3A_248 : vector<1x512xf32>
    %eq3A_250 = arith.constant 0x7F800000 : f32
    %eq3A_251 = vector.broadcast %eq3A_250 : f32 to vector<1x512xf32>
    %eq3A_252 = arith.cmpf oeq, %abs3A_249, %eq3A_251 : vector<1x512xf32>
    %jit3A_253 = arith.constant 0.000000e+00 : f32
    %broadcast_in_dim3A_254 = vector.broadcast %jit3A_253 : f32 to vector<1x512xf32>
    %select_n3A_255 = arith.select %eq3A_252, %broadcast_in_dim3A_254, %div3A_248 : vector<1x512xi1>, vector<1x512xf32>
    %mul3A_256 = arith.mulf %select_n3A_255, %sub3A_216 : vector<1x512xf32>
    %get3A_257 = arith.constant 2 : index
    %get3A_258 = arith.constant 0 : index
    %get3A_259 = vector.load %arg8[%get3A_257, %get3A_258] : memref<8x512xf32, #tpu.memory_space<vmem>>, vector<1x512xf32>
    %div3A_260 = arith.constant 1.800000e+02 : f32
    %div3A_261 = vector.broadcast %div3A_260 : f32 to vector<1x512xf32>
    %div3A_262 = arith.divf %get3A_259, %div3A_261 : vector<1x512xf32>
    %abs3A_263 = math.absf %div3A_262 : vector<1x512xf32>
    %eq3A_264 = arith.constant 0x7F800000 : f32
    %eq3A_265 = vector.broadcast %eq3A_264 : f32 to vector<1x512xf32>
    %eq3A_266 = arith.cmpf oeq, %abs3A_263, %eq3A_265 : vector<1x512xf32>
    %jit3A_267 = arith.constant 0.000000e+00 : f32
    %broadcast_in_dim3A_268 = vector.broadcast %jit3A_267 : f32 to vector<1x512xf32>
    %select_n3A_269 = arith.select %eq3A_266, %broadcast_in_dim3A_268, %div3A_262 : vector<1x512xi1>, vector<1x512xf32>
    %mul3A_270 = arith.mulf %select_n3A_269, %sub3A_216 : vector<1x512xf32>
    %broadcast_in_dim3A_271 = vector.shape_cast %convert_element_type3A_213 : vector<1x512xf32> to vector<1x512xf32>
    %broadcast_in_dim3A_272 = vector.broadcast %broadcast_in_dim3A_271 : vector<1x512xf32> to vector<9x512xf32>
    %broadcast_in_dim3A_273 = arith.constant 0.000000e+00 : f32
    %broadcast_in_dim3A_274 = vector.broadcast %broadcast_in_dim3A_273 : f32 to vector<7x512xf32>
    %concatenate3A_275 = tpu.concatenate %mul3A_220, %mul3A_224, %mul3A_228, %mul3A_242, %mul3A_256, %mul3A_270, %broadcast_in_dim3A_272, %broadcast_in_dim3A_274 in 0 : vector<43x512xf32>, vector<1x512xf32>, vector<1x512xf32>, vector<1x512xf32>, vector<1x512xf32>, vector<1x512xf32>, vector<9x512xf32>, vector<7x512xf32> -> vector<64x512xf32>
    %dot_general3A_276 = arith.constant dense<0.000000e+00> : vector<512x128xf32>
    %dot_general3A_277 = tpu.matmul %concatenate3A_275, %get3A_1, %dot_general3A_276 {dimension_numbers = #tpu.dot_dimension_numbers<[0], [0], [1], [1], [0, 1, 1, 1], [], []>, transpose_lhs_hint = false} : vector<64x512xf32>, vector<64x128xf32>, vector<512x128xf32> -> vector<512x128xf32>
    %swap3A_278 = arith.constant 1024 : index
    %swap3A_279 = arith.constant 0 : index
    %swap3A_280 = vector.load %arg12[%swap3A_278, %swap3A_279] : memref<4096x128xf32, #tpu.memory_space<vmem>>, vector<512x128xf32>
    tpu.vector_store %arg12[%swap3A_278, %swap3A_279], %dot_general3A_277 {strides = array<i32>} : memref<4096x128xf32, #tpu.memory_space<vmem>>, vector<512x128xf32>,
    %get3A_281 = arith.constant 3 : index
    %get3A_282 = arith.constant 0 : index
    %get3A_283 = vector.load %arg1[%get3A_281, %get3A_282] : memref<8x512xi32, #tpu.memory_space<vmem>>, vector<1x512xi32>
    %get3A_284 = arith.constant 3 : index
    %get3A_285 = arith.constant 0 : index
    %get3A_286 = vector.load %arg2[%get3A_284, %get3A_285] : memref<8x512xi32, #tpu.memory_space<vmem>>, vector<1x512xi32>
    %get3A_287 = arith.constant 3 : index
    %get3A_288 = arith.constant 0 : index
    %get3A_289 = vector.load %arg3[%get3A_287, %get3A_288] : memref<8x512xi32, #tpu.memory_space<vmem>>, vector<1x512xi32>
    %eq3A_290 = vector.broadcast %get3A_283 : vector<1x512xi32> to vector<43x512xi32>
    %eq3A_291 = arith.cmpi eq, %iota3A, %eq3A_290 : vector<43x512xi32>
    %add3A_292 = arith.constant 32 : i32
    %add3A_293 = vector.broadcast %add3A_292 : i32 to vector<1x512xi32>
    %add3A_294 = arith.addi %get3A_286, %add3A_293 : vector<1x512xi32>
    %eq3A_295 = vector.broadcast %add3A_294 : vector<1x512xi32> to vector<43x512xi32>
    %eq3A_296 = arith.cmpi eq, %iota3A, %eq3A_295 : vector<43x512xi32>
    %or3A_297 = arith.ori %eq3A_291, %eq3A_296 : vector<43x512xi1>
    %add3A_298 = arith.constant 39 : i32
    %add3A_299 = vector.broadcast %add3A_298 : i32 to vector<1x512xi32>
    %add3A_300 = arith.addi %get3A_289, %add3A_299 : vector<1x512xi32>
    %eq3A_301 = vector.broadcast %add3A_300 : vector<1x512xi32> to vector<43x512xi32>
    %eq3A_302 = arith.cmpi eq, %iota3A, %eq3A_301 : vector<43x512xi32>
    %or3A_303 = arith.ori %or3A_297, %eq3A_302 : vector<43x512xi1>
    %get3A_304 = arith.constant 3 : index
    %get3A_305 = arith.constant 0 : index
    %get3A_306 = vector.load %arg9[%get3A_304, %get3A_305] : memref<8x512xi32, #tpu.memory_space<vmem>>, vector<1x512xi32>
    %ne3A_307 = arith.constant 0 : i32
    %ne3A_308 = vector.broadcast %ne3A_307 : i32 to vector<1x512xi32>
    %ne3A_309 = arith.cmpi ne, %get3A_306, %ne3A_308 : vector<1x512xi32>
    %convert_element_type3A_310 = arith.extui %ne3A_309 : vector<1x512xi1> to vector<1x512xi32>
    %convert_element_type3A_311 = arith.sitofp %convert_element_type3A_310 : vector<1x512xi32> to vector<1x512xf32>
    %sub3A_312 = arith.constant 1.000000e+00 : f32
    %sub3A_313 = vector.broadcast %sub3A_312 : f32 to vector<1x512xf32>
    %sub3A_314 = arith.subf %sub3A_313, %convert_element_type3A_311 : vector<1x512xf32>
    %convert_element_type3A_315 = arith.extui %or3A_303 : vector<43x512xi1> to vector<43x512xi32>
    %convert_element_type3A_316 = arith.sitofp %convert_element_type3A_315 : vector<43x512xi32> to vector<43x512xf32>
    %mul3A_317 = vector.broadcast %sub3A_314 : vector<1x512xf32> to vector<43x512xf32>
    %mul3A_318 = arith.mulf %convert_element_type3A_316, %mul3A_317 : vector<43x512xf32>
    %get3A_319 = arith.constant 3 : index
    %get3A_320 = arith.constant 0 : index
    %get3A_321 = vector.load %arg4[%get3A_319, %get3A_320] : memref<8x512xf32, #tpu.memory_space<vmem>>, vector<1x512xf32>
    %mul3A_322 = arith.mulf %get3A_321, %sub3A_314 : vector<1x512xf32>
    %get3A_323 = arith.constant 3 : index
    %get3A_324 = arith.constant 0 : index
    %get3A_325 = vector.load %arg5[%get3A_323, %get3A_324] : memref<8x512xf32, #tpu.memory_space<vmem>>, vector<1x512xf32>
    %mul3A_326 = arith.mulf %get3A_325, %sub3A_314 : vector<1x512xf32>
    %get3A_327 = arith.constant 3 : index
    %get3A_328 = arith.constant 0 : index
    %get3A_329 = vector.load %arg6[%get3A_327, %get3A_328] : memref<8x512xf32, #tpu.memory_space<vmem>>, vector<1x512xf32>
    %div3A_330 = arith.constant 1.800000e+02 : f32
    %div3A_331 = vector.broadcast %div3A_330 : f32 to vector<1x512xf32>
    %div3A_332 = arith.divf %get3A_329, %div3A_331 : vector<1x512xf32>
    %abs3A_333 = math.absf %div3A_332 : vector<1x512xf32>
    %eq3A_334 = arith.constant 0x7F800000 : f32
    %eq3A_335 = vector.broadcast %eq3A_334 : f32 to vector<1x512xf32>
    %eq3A_336 = arith.cmpf oeq, %abs3A_333, %eq3A_335 : vector<1x512xf32>
    %jit3A_337 = arith.constant 0.000000e+00 : f32
    %broadcast_in_dim3A_338 = vector.broadcast %jit3A_337 : f32 to vector<1x512xf32>
    %select_n3A_339 = arith.select %eq3A_336, %broadcast_in_dim3A_338, %div3A_332 : vector<1x512xi1>, vector<1x512xf32>
    %mul3A_340 = arith.mulf %select_n3A_339, %sub3A_314 : vector<1x512xf32>
    %get3A_341 = arith.constant 3 : index
    %get3A_342 = arith.constant 0 : index
    %get3A_343 = vector.load %arg7[%get3A_341, %get3A_342] : memref<8x512xf32, #tpu.memory_space<vmem>>, vector<1x512xf32>
    %div3A_344 = arith.constant 1.800000e+02 : f32
    %div3A_345 = vector.broadcast %div3A_344 : f32 to vector<1x512xf32>
    %div3A_346 = arith.divf %get3A_343, %div3A_345 : vector<1x512xf32>
    %abs3A_347 = math.absf %div3A_346 : vector<1x512xf32>
    %eq3A_348 = arith.constant 0x7F800000 : f32
    %eq3A_349 = vector.broadcast %eq3A_348 : f32 to vector<1x512xf32>
    %eq3A_350 = arith.cmpf oeq, %abs3A_347, %eq3A_349 : vector<1x512xf32>
    %jit3A_351 = arith.constant 0.000000e+00 : f32
    %broadcast_in_dim3A_352 = vector.broadcast %jit3A_351 : f32 to vector<1x512xf32>
    %select_n3A_353 = arith.select %eq3A_350, %broadcast_in_dim3A_352, %div3A_346 : vector<1x512xi1>, vector<1x512xf32>
    %mul3A_354 = arith.mulf %select_n3A_353, %sub3A_314 : vector<1x512xf32>
    %get3A_355 = arith.constant 3 : index
    %get3A_356 = arith.constant 0 : index
    %get3A_357 = vector.load %arg8[%get3A_355, %get3A_356] : memref<8x512xf32, #tpu.memory_space<vmem>>, vector<1x512xf32>
    %div3A_358 = arith.constant 1.800000e+02 : f32
    %div3A_359 = vector.broadcast %div3A_358 : f32 to vector<1x512xf32>
    %div3A_360 = arith.divf %get3A_357, %div3A_359 : vector<1x512xf32>
    %abs3A_361 = math.absf %div3A_360 : vector<1x512xf32>
    %eq3A_362 = arith.constant 0x7F800000 : f32
    %eq3A_363 = vector.broadcast %eq3A_362 : f32 to vector<1x512xf32>
    %eq3A_364 = arith.cmpf oeq, %abs3A_361, %eq3A_363 : vector<1x512xf32>
    %jit3A_365 = arith.constant 0.000000e+00 : f32
    %broadcast_in_dim3A_366 = vector.broadcast %jit3A_365 : f32 to vector<1x512xf32>
    %select_n3A_367 = arith.select %eq3A_364, %broadcast_in_dim3A_366, %div3A_360 : vector<1x512xi1>, vector<1x512xf32>
    %mul3A_368 = arith.mulf %select_n3A_367, %sub3A_314 : vector<1x512xf32>
    %broadcast_in_dim3A_369 = vector.shape_cast %convert_element_type3A_311 : vector<1x512xf32> to vector<1x512xf32>
    %broadcast_in_dim3A_370 = vector.broadcast %broadcast_in_dim3A_369 : vector<1x512xf32> to vector<9x512xf32>
    %broadcast_in_dim3A_371 = arith.constant 0.000000e+00 : f32
    %broadcast_in_dim3A_372 = vector.broadcast %broadcast_in_dim3A_371 : f32 to vector<7x512xf32>
    %concatenate3A_373 = tpu.concatenate %mul3A_318, %mul3A_322, %mul3A_326, %mul3A_340, %mul3A_354, %mul3A_368, %broadcast_in_dim3A_370, %broadcast_in_dim3A_372 in 0 : vector<43x512xf32>, vector<1x512xf32>, vector<1x512xf32>, vector<1x512xf32>, vector<1x512xf32>, vector<1x512xf32>, vector<9x512xf32>, vector<7x512xf32> -> vector<64x512xf32>
    %dot_general3A_374 = arith.constant dense<0.000000e+00> : vector<512x128xf32>
    %dot_general3A_375 = tpu.matmul %concatenate3A_373, %get3A_1, %dot_general3A_374 {dimension_numbers = #tpu.dot_dimension_numbers<[0], [0], [1], [1], [0, 1, 1, 1], [], []>, transpose_lhs_hint = false} : vector<64x512xf32>, vector<64x128xf32>, vector<512x128xf32> -> vector<512x128xf32>
    %swap3A_376 = arith.constant 1536 : index
    %swap3A_377 = arith.constant 0 : index
    %swap3A_378 = vector.load %arg12[%swap3A_376, %swap3A_377] : memref<4096x128xf32, #tpu.memory_space<vmem>>, vector<512x128xf32>
    tpu.vector_store %arg12[%swap3A_376, %swap3A_377], %dot_general3A_375 {strides = array<i32>} : memref<4096x128xf32, #tpu.memory_space<vmem>>, vector<512x128xf32>,
    %get3A_379 = arith.constant 4 : index
    %get3A_380 = arith.constant 0 : index
    %get3A_381 = vector.load %arg1[%get3A_379, %get3A_380] : memref<8x512xi32, #tpu.memory_space<vmem>>, vector<1x512xi32>
    %get3A_382 = arith.constant 4 : index
    %get3A_383 = arith.constant 0 : index
    %get3A_384 = vector.load %arg2[%get3A_382, %get3A_383] : memref<8x512xi32, #tpu.memory_space<vmem>>, vector<1x512xi32>
    %get3A_385 = arith.constant 4 : index
    %get3A_386 = arith.constant 0 : index
    %get3A_387 = vector.load %arg3[%get3A_385, %get3A_386] : memref<8x512xi32, #tpu.memory_space<vmem>>, vector<1x512xi32>
    %eq3A_388 = vector.broadcast %get3A_381 : vector<1x512xi32> to vector<43x512xi32>
    %eq3A_389 = arith.cmpi eq, %iota3A, %eq3A_388 : vector<43x512xi32>
    %add3A_390 = arith.constant 32 : i32
    %add3A_391 = vector.broadcast %add3A_390 : i32 to vector<1x512xi32>
    %add3A_392 = arith.addi %get3A_384, %add3A_391 : vector<1x512xi32>
    %eq3A_393 = vector.broadcast %add3A_392 : vector<1x512xi32> to vector<43x512xi32>
    %eq3A_394 = arith.cmpi eq, %iota3A, %eq3A_393 : vector<43x512xi32>
    %or3A_395 = arith.ori %eq3A_389, %eq3A_394 : vector<43x512xi1>
    %add3A_396 = arith.constant 39 : i32
    %add3A_397 = vector.broadcast %add3A_396 : i32 to vector<1x512xi32>
    %add3A_398 = arith.addi %get3A_387, %add3A_397 : vector<1x512xi32>
    %eq3A_399 = vector.broadcast %add3A_398 : vector<1x512xi32> to vector<43x512xi32>
    %eq3A_400 = arith.cmpi eq, %iota3A, %eq3A_399 : vector<43x512xi32>
    %or3A_401 = arith.ori %or3A_395, %eq3A_400 : vector<43x512xi1>
    %get3A_402 = arith.constant 4 : index
    %get3A_403 = arith.constant 0 : index
    %get3A_404 = vector.load %arg9[%get3A_402, %get3A_403] : memref<8x512xi32, #tpu.memory_space<vmem>>, vector<1x512xi32>
    %ne3A_405 = arith.constant 0 : i32
    %ne3A_406 = vector.broadcast %ne3A_405 : i32 to vector<1x512xi32>
    %ne3A_407 = arith.cmpi ne, %get3A_404, %ne3A_406 : vector<1x512xi32>
    %convert_element_type3A_408 = arith.extui %ne3A_407 : vector<1x512xi1> to vector<1x512xi32>
    %convert_element_type3A_409 = arith.sitofp %convert_element_type3A_408 : vector<1x512xi32> to vector<1x512xf32>
    %sub3A_410 = arith.constant 1.000000e+00 : f32
    %sub3A_411 = vector.broadcast %sub3A_410 : f32 to vector<1x512xf32>
    %sub3A_412 = arith.subf %sub3A_411, %convert_element_type3A_409 : vector<1x512xf32>
    %convert_element_type3A_413 = arith.extui %or3A_401 : vector<43x512xi1> to vector<43x512xi32>
    %convert_element_type3A_414 = arith.sitofp %convert_element_type3A_413 : vector<43x512xi32> to vector<43x512xf32>
    %mul3A_415 = vector.broadcast %sub3A_412 : vector<1x512xf32> to vector<43x512xf32>
    %mul3A_416 = arith.mulf %convert_element_type3A_414, %mul3A_415 : vector<43x512xf32>
    %get3A_417 = arith.constant 4 : index
    %get3A_418 = arith.constant 0 : index
    %get3A_419 = vector.load %arg4[%get3A_417, %get3A_418] : memref<8x512xf32, #tpu.memory_space<vmem>>, vector<1x512xf32>
    %mul3A_420 = arith.mulf %get3A_419, %sub3A_412 : vector<1x512xf32>
    %get3A_421 = arith.constant 4 : index
    %get3A_422 = arith.constant 0 : index
    %get3A_423 = vector.load %arg5[%get3A_421, %get3A_422] : memref<8x512xf32, #tpu.memory_space<vmem>>, vector<1x512xf32>
    %mul3A_424 = arith.mulf %get3A_423, %sub3A_412 : vector<1x512xf32>
    %get3A_425 = arith.constant 4 : index
    %get3A_426 = arith.constant 0 : index
    %get3A_427 = vector.load %arg6[%get3A_425, %get3A_426] : memref<8x512xf32, #tpu.memory_space<vmem>>, vector<1x512xf32>
    %div3A_428 = arith.constant 1.800000e+02 : f32
    %div3A_429 = vector.broadcast %div3A_428 : f32 to vector<1x512xf32>
    %div3A_430 = arith.divf %get3A_427, %div3A_429 : vector<1x512xf32>
    %abs3A_431 = math.absf %div3A_430 : vector<1x512xf32>
    %eq3A_432 = arith.constant 0x7F800000 : f32
    %eq3A_433 = vector.broadcast %eq3A_432 : f32 to vector<1x512xf32>
    %eq3A_434 = arith.cmpf oeq, %abs3A_431, %eq3A_433 : vector<1x512xf32>
    %jit3A_435 = arith.constant 0.000000e+00 : f32
    %broadcast_in_dim3A_436 = vector.broadcast %jit3A_435 : f32 to vector<1x512xf32>
    %select_n3A_437 = arith.select %eq3A_434, %broadcast_in_dim3A_436, %div3A_430 : vector<1x512xi1>, vector<1x512xf32>
    %mul3A_438 = arith.mulf %select_n3A_437, %sub3A_412 : vector<1x512xf32>
    %get3A_439 = arith.constant 4 : index
    %get3A_440 = arith.constant 0 : index
    %get3A_441 = vector.load %arg7[%get3A_439, %get3A_440] : memref<8x512xf32, #tpu.memory_space<vmem>>, vector<1x512xf32>
    %div3A_442 = arith.constant 1.800000e+02 : f32
    %div3A_443 = vector.broadcast %div3A_442 : f32 to vector<1x512xf32>
    %div3A_444 = arith.divf %get3A_441, %div3A_443 : vector<1x512xf32>
    %abs3A_445 = math.absf %div3A_444 : vector<1x512xf32>
    %eq3A_446 = arith.constant 0x7F800000 : f32
    %eq3A_447 = vector.broadcast %eq3A_446 : f32 to vector<1x512xf32>
    %eq3A_448 = arith.cmpf oeq, %abs3A_445, %eq3A_447 : vector<1x512xf32>
    %jit3A_449 = arith.constant 0.000000e+00 : f32
    %broadcast_in_dim3A_450 = vector.broadcast %jit3A_449 : f32 to vector<1x512xf32>
    %select_n3A_451 = arith.select %eq3A_448, %broadcast_in_dim3A_450, %div3A_444 : vector<1x512xi1>, vector<1x512xf32>
    %mul3A_452 = arith.mulf %select_n3A_451, %sub3A_412 : vector<1x512xf32>
    %get3A_453 = arith.constant 4 : index
    %get3A_454 = arith.constant 0 : index
    %get3A_455 = vector.load %arg8[%get3A_453, %get3A_454] : memref<8x512xf32, #tpu.memory_space<vmem>>, vector<1x512xf32>
    %div3A_456 = arith.constant 1.800000e+02 : f32
    %div3A_457 = vector.broadcast %div3A_456 : f32 to vector<1x512xf32>
    %div3A_458 = arith.divf %get3A_455, %div3A_457 : vector<1x512xf32>
    %abs3A_459 = math.absf %div3A_458 : vector<1x512xf32>
    %eq3A_460 = arith.constant 0x7F800000 : f32
    %eq3A_461 = vector.broadcast %eq3A_460 : f32 to vector<1x512xf32>
    %eq3A_462 = arith.cmpf oeq, %abs3A_459, %eq3A_461 : vector<1x512xf32>
    %jit3A_463 = arith.constant 0.000000e+00 : f32
    %broadcast_in_dim3A_464 = vector.broadcast %jit3A_463 : f32 to vector<1x512xf32>
    %select_n3A_465 = arith.select %eq3A_462, %broadcast_in_dim3A_464, %div3A_458 : vector<1x512xi1>, vector<1x512xf32>
    %mul3A_466 = arith.mulf %select_n3A_465, %sub3A_412 : vector<1x512xf32>
    %broadcast_in_dim3A_467 = vector.shape_cast %convert_element_type3A_409 : vector<1x512xf32> to vector<1x512xf32>
    %broadcast_in_dim3A_468 = vector.broadcast %broadcast_in_dim3A_467 : vector<1x512xf32> to vector<9x512xf32>
    %broadcast_in_dim3A_469 = arith.constant 0.000000e+00 : f32
    %broadcast_in_dim3A_470 = vector.broadcast %broadcast_in_dim3A_469 : f32 to vector<7x512xf32>
    %concatenate3A_471 = tpu.concatenate %mul3A_416, %mul3A_420, %mul3A_424, %mul3A_438, %mul3A_452, %mul3A_466, %broadcast_in_dim3A_468, %broadcast_in_dim3A_470 in 0 : vector<43x512xf32>, vector<1x512xf32>, vector<1x512xf32>, vector<1x512xf32>, vector<1x512xf32>, vector<1x512xf32>, vector<9x512xf32>, vector<7x512xf32> -> vector<64x512xf32>
    %dot_general3A_472 = arith.constant dense<0.000000e+00> : vector<512x128xf32>
    %dot_general3A_473 = tpu.matmul %concatenate3A_471, %get3A_1, %dot_general3A_472 {dimension_numbers = #tpu.dot_dimension_numbers<[0], [0], [1], [1], [0, 1, 1, 1], [], []>, transpose_lhs_hint = false} : vector<64x512xf32>, vector<64x128xf32>, vector<512x128xf32> -> vector<512x128xf32>
    %swap3A_474 = arith.constant 2048 : index
    %swap3A_475 = arith.constant 0 : index
    %swap3A_476 = vector.load %arg12[%swap3A_474, %swap3A_475] : memref<4096x128xf32, #tpu.memory_space<vmem>>, vector<512x128xf32>
    tpu.vector_store %arg12[%swap3A_474, %swap3A_475], %dot_general3A_473 {strides = array<i32>} : memref<4096x128xf32, #tpu.memory_space<vmem>>, vector<512x128xf32>,
    %get3A_477 = arith.constant 5 : index
    %get3A_478 = arith.constant 0 : index
    %get3A_479 = vector.load %arg1[%get3A_477, %get3A_478] : memref<8x512xi32, #tpu.memory_space<vmem>>, vector<1x512xi32>
    %get3A_480 = arith.constant 5 : index
    %get3A_481 = arith.constant 0 : index
    %get3A_482 = vector.load %arg2[%get3A_480, %get3A_481] : memref<8x512xi32, #tpu.memory_space<vmem>>, vector<1x512xi32>
    %get3A_483 = arith.constant 5 : index
    %get3A_484 = arith.constant 0 : index
    %get3A_485 = vector.load %arg3[%get3A_483, %get3A_484] : memref<8x512xi32, #tpu.memory_space<vmem>>, vector<1x512xi32>
    %eq3A_486 = vector.broadcast %get3A_479 : vector<1x512xi32> to vector<43x512xi32>
    %eq3A_487 = arith.cmpi eq, %iota3A, %eq3A_486 : vector<43x512xi32>
    %add3A_488 = arith.constant 32 : i32
    %add3A_489 = vector.broadcast %add3A_488 : i32 to vector<1x512xi32>
    %add3A_490 = arith.addi %get3A_482, %add3A_489 : vector<1x512xi32>
    %eq3A_491 = vector.broadcast %add3A_490 : vector<1x512xi32> to vector<43x512xi32>
    %eq3A_492 = arith.cmpi eq, %iota3A, %eq3A_491 : vector<43x512xi32>
    %or3A_493 = arith.ori %eq3A_487, %eq3A_492 : vector<43x512xi1>
    %add3A_494 = arith.constant 39 : i32
    %add3A_495 = vector.broadcast %add3A_494 : i32 to vector<1x512xi32>
    %add3A_496 = arith.addi %get3A_485, %add3A_495 : vector<1x512xi32>
    %eq3A_497 = vector.broadcast %add3A_496 : vector<1x512xi32> to vector<43x512xi32>
    %eq3A_498 = arith.cmpi eq, %iota3A, %eq3A_497 : vector<43x512xi32>
    %or3A_499 = arith.ori %or3A_493, %eq3A_498 : vector<43x512xi1>
    %get3A_500 = arith.constant 5 : index
    %get3A_501 = arith.constant 0 : index
    %get3A_502 = vector.load %arg9[%get3A_500, %get3A_501] : memref<8x512xi32, #tpu.memory_space<vmem>>, vector<1x512xi32>
    %ne3A_503 = arith.constant 0 : i32
    %ne3A_504 = vector.broadcast %ne3A_503 : i32 to vector<1x512xi32>
    %ne3A_505 = arith.cmpi ne, %get3A_502, %ne3A_504 : vector<1x512xi32>
    %convert_element_type3A_506 = arith.extui %ne3A_505 : vector<1x512xi1> to vector<1x512xi32>
    %convert_element_type3A_507 = arith.sitofp %convert_element_type3A_506 : vector<1x512xi32> to vector<1x512xf32>
    %sub3A_508 = arith.constant 1.000000e+00 : f32
    %sub3A_509 = vector.broadcast %sub3A_508 : f32 to vector<1x512xf32>
    %sub3A_510 = arith.subf %sub3A_509, %convert_element_type3A_507 : vector<1x512xf32>
    %convert_element_type3A_511 = arith.extui %or3A_499 : vector<43x512xi1> to vector<43x512xi32>
    %convert_element_type3A_512 = arith.sitofp %convert_element_type3A_511 : vector<43x512xi32> to vector<43x512xf32>
    %mul3A_513 = vector.broadcast %sub3A_510 : vector<1x512xf32> to vector<43x512xf32>
    %mul3A_514 = arith.mulf %convert_element_type3A_512, %mul3A_513 : vector<43x512xf32>
    %get3A_515 = arith.constant 5 : index
    %get3A_516 = arith.constant 0 : index
    %get3A_517 = vector.load %arg4[%get3A_515, %get3A_516] : memref<8x512xf32, #tpu.memory_space<vmem>>, vector<1x512xf32>
    %mul3A_518 = arith.mulf %get3A_517, %sub3A_510 : vector<1x512xf32>
    %get3A_519 = arith.constant 5 : index
    %get3A_520 = arith.constant 0 : index
    %get3A_521 = vector.load %arg5[%get3A_519, %get3A_520] : memref<8x512xf32, #tpu.memory_space<vmem>>, vector<1x512xf32>
    %mul3A_522 = arith.mulf %get3A_521, %sub3A_510 : vector<1x512xf32>
    %get3A_523 = arith.constant 5 : index
    %get3A_524 = arith.constant 0 : index
    %get3A_525 = vector.load %arg6[%get3A_523, %get3A_524] : memref<8x512xf32, #tpu.memory_space<vmem>>, vector<1x512xf32>
    %div3A_526 = arith.constant 1.800000e+02 : f32
    %div3A_527 = vector.broadcast %div3A_526 : f32 to vector<1x512xf32>
    %div3A_528 = arith.divf %get3A_525, %div3A_527 : vector<1x512xf32>
    %abs3A_529 = math.absf %div3A_528 : vector<1x512xf32>
    %eq3A_530 = arith.constant 0x7F800000 : f32
    %eq3A_531 = vector.broadcast %eq3A_530 : f32 to vector<1x512xf32>
    %eq3A_532 = arith.cmpf oeq, %abs3A_529, %eq3A_531 : vector<1x512xf32>
    %jit3A_533 = arith.constant 0.000000e+00 : f32
    %broadcast_in_dim3A_534 = vector.broadcast %jit3A_533 : f32 to vector<1x512xf32>
    %select_n3A_535 = arith.select %eq3A_532, %broadcast_in_dim3A_534, %div3A_528 : vector<1x512xi1>, vector<1x512xf32>
    %mul3A_536 = arith.mulf %select_n3A_535, %sub3A_510 : vector<1x512xf32>
    %get3A_537 = arith.constant 5 : index
    %get3A_538 = arith.constant 0 : index
    %get3A_539 = vector.load %arg7[%get3A_537, %get3A_538] : memref<8x512xf32, #tpu.memory_space<vmem>>, vector<1x512xf32>
    %div3A_540 = arith.constant 1.800000e+02 : f32
    %div3A_541 = vector.broadcast %div3A_540 : f32 to vector<1x512xf32>
    %div3A_542 = arith.divf %get3A_539, %div3A_541 : vector<1x512xf32>
    %abs3A_543 = math.absf %div3A_542 : vector<1x512xf32>
    %eq3A_544 = arith.constant 0x7F800000 : f32
    %eq3A_545 = vector.broadcast %eq3A_544 : f32 to vector<1x512xf32>
    %eq3A_546 = arith.cmpf oeq, %abs3A_543, %eq3A_545 : vector<1x512xf32>
    %jit3A_547 = arith.constant 0.000000e+00 : f32
    %broadcast_in_dim3A_548 = vector.broadcast %jit3A_547 : f32 to vector<1x512xf32>
    %select_n3A_549 = arith.select %eq3A_546, %broadcast_in_dim3A_548, %div3A_542 : vector<1x512xi1>, vector<1x512xf32>
    %mul3A_550 = arith.mulf %select_n3A_549, %sub3A_510 : vector<1x512xf32>
    %get3A_551 = arith.constant 5 : index
    %get3A_552 = arith.constant 0 : index
    %get3A_553 = vector.load %arg8[%get3A_551, %get3A_552] : memref<8x512xf32, #tpu.memory_space<vmem>>, vector<1x512xf32>
    %div3A_554 = arith.constant 1.800000e+02 : f32
    %div3A_555 = vector.broadcast %div3A_554 : f32 to vector<1x512xf32>
    %div3A_556 = arith.divf %get3A_553, %div3A_555 : vector<1x512xf32>
    %abs3A_557 = math.absf %div3A_556 : vector<1x512xf32>
    %eq3A_558 = arith.constant 0x7F800000 : f32
    %eq3A_559 = vector.broadcast %eq3A_558 : f32 to vector<1x512xf32>
    %eq3A_560 = arith.cmpf oeq, %abs3A_557, %eq3A_559 : vector<1x512xf32>
    %jit3A_561 = arith.constant 0.000000e+00 : f32
    %broadcast_in_dim3A_562 = vector.broadcast %jit3A_561 : f32 to vector<1x512xf32>
    %select_n3A_563 = arith.select %eq3A_560, %broadcast_in_dim3A_562, %div3A_556 : vector<1x512xi1>, vector<1x512xf32>
    %mul3A_564 = arith.mulf %select_n3A_563, %sub3A_510 : vector<1x512xf32>
    %broadcast_in_dim3A_565 = vector.shape_cast %convert_element_type3A_507 : vector<1x512xf32> to vector<1x512xf32>
    %broadcast_in_dim3A_566 = vector.broadcast %broadcast_in_dim3A_565 : vector<1x512xf32> to vector<9x512xf32>
    %broadcast_in_dim3A_567 = arith.constant 0.000000e+00 : f32
    %broadcast_in_dim3A_568 = vector.broadcast %broadcast_in_dim3A_567 : f32 to vector<7x512xf32>
    %concatenate3A_569 = tpu.concatenate %mul3A_514, %mul3A_518, %mul3A_522, %mul3A_536, %mul3A_550, %mul3A_564, %broadcast_in_dim3A_566, %broadcast_in_dim3A_568 in 0 : vector<43x512xf32>, vector<1x512xf32>, vector<1x512xf32>, vector<1x512xf32>, vector<1x512xf32>, vector<1x512xf32>, vector<9x512xf32>, vector<7x512xf32> -> vector<64x512xf32>
    %dot_general3A_570 = arith.constant dense<0.000000e+00> : vector<512x128xf32>
    %dot_general3A_571 = tpu.matmul %concatenate3A_569, %get3A_1, %dot_general3A_570 {dimension_numbers = #tpu.dot_dimension_numbers<[0], [0], [1], [1], [0, 1, 1, 1], [], []>, transpose_lhs_hint = false} : vector<64x512xf32>, vector<64x128xf32>, vector<512x128xf32> -> vector<512x128xf32>
    %swap3A_572 = arith.constant 2560 : index
    %swap3A_573 = arith.constant 0 : index
    %swap3A_574 = vector.load %arg12[%swap3A_572, %swap3A_573] : memref<4096x128xf32, #tpu.memory_space<vmem>>, vector<512x128xf32>
    tpu.vector_store %arg12[%swap3A_572, %swap3A_573], %dot_general3A_571 {strides = array<i32>} : memref<4096x128xf32, #tpu.memory_space<vmem>>, vector<512x128xf32>,
    %get3A_575 = arith.constant 6 : index
    %get3A_576 = arith.constant 0 : index
    %get3A_577 = vector.load %arg1[%get3A_575, %get3A_576] : memref<8x512xi32, #tpu.memory_space<vmem>>, vector<1x512xi32>
    %get3A_578 = arith.constant 6 : index
    %get3A_579 = arith.constant 0 : index
    %get3A_580 = vector.load %arg2[%get3A_578, %get3A_579] : memref<8x512xi32, #tpu.memory_space<vmem>>, vector<1x512xi32>
    %get3A_581 = arith.constant 6 : index
    %get3A_582 = arith.constant 0 : index
    %get3A_583 = vector.load %arg3[%get3A_581, %get3A_582] : memref<8x512xi32, #tpu.memory_space<vmem>>, vector<1x512xi32>
    %eq3A_584 = vector.broadcast %get3A_577 : vector<1x512xi32> to vector<43x512xi32>
    %eq3A_585 = arith.cmpi eq, %iota3A, %eq3A_584 : vector<43x512xi32>
    %add3A_586 = arith.constant 32 : i32
    %add3A_587 = vector.broadcast %add3A_586 : i32 to vector<1x512xi32>
    %add3A_588 = arith.addi %get3A_580, %add3A_587 : vector<1x512xi32>
    %eq3A_589 = vector.broadcast %add3A_588 : vector<1x512xi32> to vector<43x512xi32>
    %eq3A_590 = arith.cmpi eq, %iota3A, %eq3A_589 : vector<43x512xi32>
    %or3A_591 = arith.ori %eq3A_585, %eq3A_590 : vector<43x512xi1>
    %add3A_592 = arith.constant 39 : i32
    %add3A_593 = vector.broadcast %add3A_592 : i32 to vector<1x512xi32>
    %add3A_594 = arith.addi %get3A_583, %add3A_593 : vector<1x512xi32>
    %eq3A_595 = vector.broadcast %add3A_594 : vector<1x512xi32> to vector<43x512xi32>
    %eq3A_596 = arith.cmpi eq, %iota3A, %eq3A_595 : vector<43x512xi32>
    %or3A_597 = arith.ori %or3A_591, %eq3A_596 : vector<43x512xi1>
    %get3A_598 = arith.constant 6 : index
    %get3A_599 = arith.constant 0 : index
    %get3A_600 = vector.load %arg9[%get3A_598, %get3A_599] : memref<8x512xi32, #tpu.memory_space<vmem>>, vector<1x512xi32>
    %ne3A_601 = arith.constant 0 : i32
    %ne3A_602 = vector.broadcast %ne3A_601 : i32 to vector<1x512xi32>
    %ne3A_603 = arith.cmpi ne, %get3A_600, %ne3A_602 : vector<1x512xi32>
    %convert_element_type3A_604 = arith.extui %ne3A_603 : vector<1x512xi1> to vector<1x512xi32>
    %convert_element_type3A_605 = arith.sitofp %convert_element_type3A_604 : vector<1x512xi32> to vector<1x512xf32>
    %sub3A_606 = arith.constant 1.000000e+00 : f32
    %sub3A_607 = vector.broadcast %sub3A_606 : f32 to vector<1x512xf32>
    %sub3A_608 = arith.subf %sub3A_607, %convert_element_type3A_605 : vector<1x512xf32>
    %convert_element_type3A_609 = arith.extui %or3A_597 : vector<43x512xi1> to vector<43x512xi32>
    %convert_element_type3A_610 = arith.sitofp %convert_element_type3A_609 : vector<43x512xi32> to vector<43x512xf32>
    %mul3A_611 = vector.broadcast %sub3A_608 : vector<1x512xf32> to vector<43x512xf32>
    %mul3A_612 = arith.mulf %convert_element_type3A_610, %mul3A_611 : vector<43x512xf32>
    %get3A_613 = arith.constant 6 : index
    %get3A_614 = arith.constant 0 : index
    %get3A_615 = vector.load %arg4[%get3A_613, %get3A_614] : memref<8x512xf32, #tpu.memory_space<vmem>>, vector<1x512xf32>
    %mul3A_616 = arith.mulf %get3A_615, %sub3A_608 : vector<1x512xf32>
    %get3A_617 = arith.constant 6 : index
    %get3A_618 = arith.constant 0 : index
    %get3A_619 = vector.load %arg5[%get3A_617, %get3A_618] : memref<8x512xf32, #tpu.memory_space<vmem>>, vector<1x512xf32>
    %mul3A_620 = arith.mulf %get3A_619, %sub3A_608 : vector<1x512xf32>
    %get3A_621 = arith.constant 6 : index
    %get3A_622 = arith.constant 0 : index
    %get3A_623 = vector.load %arg6[%get3A_621, %get3A_622] : memref<8x512xf32, #tpu.memory_space<vmem>>, vector<1x512xf32>
    %div3A_624 = arith.constant 1.800000e+02 : f32
    %div3A_625 = vector.broadcast %div3A_624 : f32 to vector<1x512xf32>
    %div3A_626 = arith.divf %get3A_623, %div3A_625 : vector<1x512xf32>
    %abs3A_627 = math.absf %div3A_626 : vector<1x512xf32>
    %eq3A_628 = arith.constant 0x7F800000 : f32
    %eq3A_629 = vector.broadcast %eq3A_628 : f32 to vector<1x512xf32>
    %eq3A_630 = arith.cmpf oeq, %abs3A_627, %eq3A_629 : vector<1x512xf32>
    %jit3A_631 = arith.constant 0.000000e+00 : f32
    %broadcast_in_dim3A_632 = vector.broadcast %jit3A_631 : f32 to vector<1x512xf32>
    %select_n3A_633 = arith.select %eq3A_630, %broadcast_in_dim3A_632, %div3A_626 : vector<1x512xi1>, vector<1x512xf32>
    %mul3A_634 = arith.mulf %select_n3A_633, %sub3A_608 : vector<1x512xf32>
    %get3A_635 = arith.constant 6 : index
    %get3A_636 = arith.constant 0 : index
    %get3A_637 = vector.load %arg7[%get3A_635, %get3A_636] : memref<8x512xf32, #tpu.memory_space<vmem>>, vector<1x512xf32>
    %div3A_638 = arith.constant 1.800000e+02 : f32
    %div3A_639 = vector.broadcast %div3A_638 : f32 to vector<1x512xf32>
    %div3A_640 = arith.divf %get3A_637, %div3A_639 : vector<1x512xf32>
    %abs3A_641 = math.absf %div3A_640 : vector<1x512xf32>
    %eq3A_642 = arith.constant 0x7F800000 : f32
    %eq3A_643 = vector.broadcast %eq3A_642 : f32 to vector<1x512xf32>
    %eq3A_644 = arith.cmpf oeq, %abs3A_641, %eq3A_643 : vector<1x512xf32>
    %jit3A_645 = arith.constant 0.000000e+00 : f32
    %broadcast_in_dim3A_646 = vector.broadcast %jit3A_645 : f32 to vector<1x512xf32>
    %select_n3A_647 = arith.select %eq3A_644, %broadcast_in_dim3A_646, %div3A_640 : vector<1x512xi1>, vector<1x512xf32>
    %mul3A_648 = arith.mulf %select_n3A_647, %sub3A_608 : vector<1x512xf32>
    %get3A_649 = arith.constant 6 : index
    %get3A_650 = arith.constant 0 : index
    %get3A_651 = vector.load %arg8[%get3A_649, %get3A_650] : memref<8x512xf32, #tpu.memory_space<vmem>>, vector<1x512xf32>
    %div3A_652 = arith.constant 1.800000e+02 : f32
    %div3A_653 = vector.broadcast %div3A_652 : f32 to vector<1x512xf32>
    %div3A_654 = arith.divf %get3A_651, %div3A_653 : vector<1x512xf32>
    %abs3A_655 = math.absf %div3A_654 : vector<1x512xf32>
    %eq3A_656 = arith.constant 0x7F800000 : f32
    %eq3A_657 = vector.broadcast %eq3A_656 : f32 to vector<1x512xf32>
    %eq3A_658 = arith.cmpf oeq, %abs3A_655, %eq3A_657 : vector<1x512xf32>
    %jit3A_659 = arith.constant 0.000000e+00 : f32
    %broadcast_in_dim3A_660 = vector.broadcast %jit3A_659 : f32 to vector<1x512xf32>
    %select_n3A_661 = arith.select %eq3A_658, %broadcast_in_dim3A_660, %div3A_654 : vector<1x512xi1>, vector<1x512xf32>
    %mul3A_662 = arith.mulf %select_n3A_661, %sub3A_608 : vector<1x512xf32>
    %broadcast_in_dim3A_663 = vector.shape_cast %convert_element_type3A_605 : vector<1x512xf32> to vector<1x512xf32>
    %broadcast_in_dim3A_664 = vector.broadcast %broadcast_in_dim3A_663 : vector<1x512xf32> to vector<9x512xf32>
    %broadcast_in_dim3A_665 = arith.constant 0.000000e+00 : f32
    %broadcast_in_dim3A_666 = vector.broadcast %broadcast_in_dim3A_665 : f32 to vector<7x512xf32>
    %concatenate3A_667 = tpu.concatenate %mul3A_612, %mul3A_616, %mul3A_620, %mul3A_634, %mul3A_648, %mul3A_662, %broadcast_in_dim3A_664, %broadcast_in_dim3A_666 in 0 : vector<43x512xf32>, vector<1x512xf32>, vector<1x512xf32>, vector<1x512xf32>, vector<1x512xf32>, vector<1x512xf32>, vector<9x512xf32>, vector<7x512xf32> -> vector<64x512xf32>
    %dot_general3A_668 = arith.constant dense<0.000000e+00> : vector<512x128xf32>
    %dot_general3A_669 = tpu.matmul %concatenate3A_667, %get3A_1, %dot_general3A_668 {dimension_numbers = #tpu.dot_dimension_numbers<[0], [0], [1], [1], [0, 1, 1, 1], [], []>, transpose_lhs_hint = false} : vector<64x512xf32>, vector<64x128xf32>, vector<512x128xf32> -> vector<512x128xf32>
    %swap3A_670 = arith.constant 3072 : index
    %swap3A_671 = arith.constant 0 : index
    %swap3A_672 = vector.load %arg12[%swap3A_670, %swap3A_671] : memref<4096x128xf32, #tpu.memory_space<vmem>>, vector<512x128xf32>
    tpu.vector_store %arg12[%swap3A_670, %swap3A_671], %dot_general3A_669 {strides = array<i32>} : memref<4096x128xf32, #tpu.memory_space<vmem>>, vector<512x128xf32>,
    %get3A_673 = arith.constant 7 : index
    %get3A_674 = arith.constant 0 : index
    %get3A_675 = vector.load %arg1[%get3A_673, %get3A_674] : memref<8x512xi32, #tpu.memory_space<vmem>>, vector<1x512xi32>
    %get3A_676 = arith.constant 7 : index
    %get3A_677 = arith.constant 0 : index
    %get3A_678 = vector.load %arg2[%get3A_676, %get3A_677] : memref<8x512xi32, #tpu.memory_space<vmem>>, vector<1x512xi32>
    %get3A_679 = arith.constant 7 : index
    %get3A_680 = arith.constant 0 : index
    %get3A_681 = vector.load %arg3[%get3A_679, %get3A_680] : memref<8x512xi32, #tpu.memory_space<vmem>>, vector<1x512xi32>
    %eq3A_682 = vector.broadcast %get3A_675 : vector<1x512xi32> to vector<43x512xi32>
    %eq3A_683 = arith.cmpi eq, %iota3A, %eq3A_682 : vector<43x512xi32>
    %add3A_684 = arith.constant 32 : i32
    %add3A_685 = vector.broadcast %add3A_684 : i32 to vector<1x512xi32>
    %add3A_686 = arith.addi %get3A_678, %add3A_685 : vector<1x512xi32>
    %eq3A_687 = vector.broadcast %add3A_686 : vector<1x512xi32> to vector<43x512xi32>
    %eq3A_688 = arith.cmpi eq, %iota3A, %eq3A_687 : vector<43x512xi32>
    %or3A_689 = arith.ori %eq3A_683, %eq3A_688 : vector<43x512xi1>
    %add3A_690 = arith.constant 39 : i32
    %add3A_691 = vector.broadcast %add3A_690 : i32 to vector<1x512xi32>
    %add3A_692 = arith.addi %get3A_681, %add3A_691 : vector<1x512xi32>
    %eq3A_693 = vector.broadcast %add3A_692 : vector<1x512xi32> to vector<43x512xi32>
    %eq3A_694 = arith.cmpi eq, %iota3A, %eq3A_693 : vector<43x512xi32>
    %or3A_695 = arith.ori %or3A_689, %eq3A_694 : vector<43x512xi1>
    %get3A_696 = arith.constant 7 : index
    %get3A_697 = arith.constant 0 : index
    %get3A_698 = vector.load %arg9[%get3A_696, %get3A_697] : memref<8x512xi32, #tpu.memory_space<vmem>>, vector<1x512xi32>
    %ne3A_699 = arith.constant 0 : i32
    %ne3A_700 = vector.broadcast %ne3A_699 : i32 to vector<1x512xi32>
    %ne3A_701 = arith.cmpi ne, %get3A_698, %ne3A_700 : vector<1x512xi32>
    %convert_element_type3A_702 = arith.extui %ne3A_701 : vector<1x512xi1> to vector<1x512xi32>
    %convert_element_type3A_703 = arith.sitofp %convert_element_type3A_702 : vector<1x512xi32> to vector<1x512xf32>
    %sub3A_704 = arith.constant 1.000000e+00 : f32
    %sub3A_705 = vector.broadcast %sub3A_704 : f32 to vector<1x512xf32>
    %sub3A_706 = arith.subf %sub3A_705, %convert_element_type3A_703 : vector<1x512xf32>
    %convert_element_type3A_707 = arith.extui %or3A_695 : vector<43x512xi1> to vector<43x512xi32>
    %convert_element_type3A_708 = arith.sitofp %convert_element_type3A_707 : vector<43x512xi32> to vector<43x512xf32>
    %mul3A_709 = vector.broadcast %sub3A_706 : vector<1x512xf32> to vector<43x512xf32>
    %mul3A_710 = arith.mulf %convert_element_type3A_708, %mul3A_709 : vector<43x512xf32>
    %get3A_711 = arith.constant 7 : index
    %get3A_712 = arith.constant 0 : index
    %get3A_713 = vector.load %arg4[%get3A_711, %get3A_712] : memref<8x512xf32, #tpu.memory_space<vmem>>, vector<1x512xf32>
    %mul3A_714 = arith.mulf %get3A_713, %sub3A_706 : vector<1x512xf32>
    %get3A_715 = arith.constant 7 : index
    %get3A_716 = arith.constant 0 : index
    %get3A_717 = vector.load %arg5[%get3A_715, %get3A_716] : memref<8x512xf32, #tpu.memory_space<vmem>>, vector<1x512xf32>
    %mul3A_718 = arith.mulf %get3A_717, %sub3A_706 : vector<1x512xf32>
    %get3A_719 = arith.constant 7 : index
    %get3A_720 = arith.constant 0 : index
    %get3A_721 = vector.load %arg6[%get3A_719, %get3A_720] : memref<8x512xf32, #tpu.memory_space<vmem>>, vector<1x512xf32>
    %div3A_722 = arith.constant 1.800000e+02 : f32
    %div3A_723 = vector.broadcast %div3A_722 : f32 to vector<1x512xf32>
    %div3A_724 = arith.divf %get3A_721, %div3A_723 : vector<1x512xf32>
    %abs3A_725 = math.absf %div3A_724 : vector<1x512xf32>
    %eq3A_726 = arith.constant 0x7F800000 : f32
    %eq3A_727 = vector.broadcast %eq3A_726 : f32 to vector<1x512xf32>
    %eq3A_728 = arith.cmpf oeq, %abs3A_725, %eq3A_727 : vector<1x512xf32>
    %jit3A_729 = arith.constant 0.000000e+00 : f32
    %broadcast_in_dim3A_730 = vector.broadcast %jit3A_729 : f32 to vector<1x512xf32>
    %select_n3A_731 = arith.select %eq3A_728, %broadcast_in_dim3A_730, %div3A_724 : vector<1x512xi1>, vector<1x512xf32>
    %mul3A_732 = arith.mulf %select_n3A_731, %sub3A_706 : vector<1x512xf32>
    %get3A_733 = arith.constant 7 : index
    %get3A_734 = arith.constant 0 : index
    %get3A_735 = vector.load %arg7[%get3A_733, %get3A_734] : memref<8x512xf32, #tpu.memory_space<vmem>>, vector<1x512xf32>
    %div3A_736 = arith.constant 1.800000e+02 : f32
    %div3A_737 = vector.broadcast %div3A_736 : f32 to vector<1x512xf32>
    %div3A_738 = arith.divf %get3A_735, %div3A_737 : vector<1x512xf32>
    %abs3A_739 = math.absf %div3A_738 : vector<1x512xf32>
    %eq3A_740 = arith.constant 0x7F800000 : f32
    %eq3A_741 = vector.broadcast %eq3A_740 : f32 to vector<1x512xf32>
    %eq3A_742 = arith.cmpf oeq, %abs3A_739, %eq3A_741 : vector<1x512xf32>
    %jit3A_743 = arith.constant 0.000000e+00 : f32
    %broadcast_in_dim3A_744 = vector.broadcast %jit3A_743 : f32 to vector<1x512xf32>
    %select_n3A_745 = arith.select %eq3A_742, %broadcast_in_dim3A_744, %div3A_738 : vector<1x512xi1>, vector<1x512xf32>
    %mul3A_746 = arith.mulf %select_n3A_745, %sub3A_706 : vector<1x512xf32>
    %get3A_747 = arith.constant 7 : index
    %get3A_748 = arith.constant 0 : index
    %get3A_749 = vector.load %arg8[%get3A_747, %get3A_748] : memref<8x512xf32, #tpu.memory_space<vmem>>, vector<1x512xf32>
    %div3A_750 = arith.constant 1.800000e+02 : f32
    %div3A_751 = vector.broadcast %div3A_750 : f32 to vector<1x512xf32>
    %div3A_752 = arith.divf %get3A_749, %div3A_751 : vector<1x512xf32>
    %abs3A_753 = math.absf %div3A_752 : vector<1x512xf32>
    %eq3A_754 = arith.constant 0x7F800000 : f32
    %eq3A_755 = vector.broadcast %eq3A_754 : f32 to vector<1x512xf32>
    %eq3A_756 = arith.cmpf oeq, %abs3A_753, %eq3A_755 : vector<1x512xf32>
    %jit3A_757 = arith.constant 0.000000e+00 : f32
    %broadcast_in_dim3A_758 = vector.broadcast %jit3A_757 : f32 to vector<1x512xf32>
    %select_n3A_759 = arith.select %eq3A_756, %broadcast_in_dim3A_758, %div3A_752 : vector<1x512xi1>, vector<1x512xf32>
    %mul3A_760 = arith.mulf %select_n3A_759, %sub3A_706 : vector<1x512xf32>
    %broadcast_in_dim3A_761 = vector.shape_cast %convert_element_type3A_703 : vector<1x512xf32> to vector<1x512xf32>
    %broadcast_in_dim3A_762 = vector.broadcast %broadcast_in_dim3A_761 : vector<1x512xf32> to vector<9x512xf32>
    %broadcast_in_dim3A_763 = arith.constant 0.000000e+00 : f32
    %broadcast_in_dim3A_764 = vector.broadcast %broadcast_in_dim3A_763 : f32 to vector<7x512xf32>
    %concatenate3A_765 = tpu.concatenate %mul3A_710, %mul3A_714, %mul3A_718, %mul3A_732, %mul3A_746, %mul3A_760, %broadcast_in_dim3A_762, %broadcast_in_dim3A_764 in 0 : vector<43x512xf32>, vector<1x512xf32>, vector<1x512xf32>, vector<1x512xf32>, vector<1x512xf32>, vector<1x512xf32>, vector<9x512xf32>, vector<7x512xf32> -> vector<64x512xf32>
    %dot_general3A_766 = arith.constant dense<0.000000e+00> : vector<512x128xf32>
    %dot_general3A_767 = tpu.matmul %concatenate3A_765, %get3A_1, %dot_general3A_766 {dimension_numbers = #tpu.dot_dimension_numbers<[0], [0], [1], [1], [0, 1, 1, 1], [], []>, transpose_lhs_hint = false} : vector<64x512xf32>, vector<64x128xf32>, vector<512x128xf32> -> vector<512x128xf32>
    %swap3A_768 = arith.constant 3584 : index
    %swap3A_769 = arith.constant 0 : index
    %swap3A_770 = vector.load %arg12[%swap3A_768, %swap3A_769] : memref<4096x128xf32, #tpu.memory_space<vmem>>, vector<512x128xf32>
    tpu.vector_store %arg12[%swap3A_768, %swap3A_769], %dot_general3A_767 {strides = array<i32>} : memref<4096x128xf32, #tpu.memory_space<vmem>>, vector<512x128xf32>,
    return
  }
  func.func @transform_0(%arg0: i32) -> (i32, i32) {
    %c0_i32 = arith.constant 0 : i32
    %c0_i32_0 = arith.constant 0 : i32
    return %arg0, %c0_i32 : i32, i32
  }
  func.func @transform_1(%arg0: i32) -> (i32, i32) {
    %c0_i32 = arith.constant 0 : i32
    %c0_i32_0 = arith.constant 0 : i32
    return %arg0, %c0_i32 : i32, i32
  }
  func.func @transform_2(%arg0: i32) -> (i32, i32) {
    %c0_i32 = arith.constant 0 : i32
    %c0_i32_0 = arith.constant 0 : i32
    return %arg0, %c0_i32 : i32, i32
  }
  func.func @transform_3(%arg0: i32) -> (i32, i32) {
    %c0_i32 = arith.constant 0 : i32
    %c0_i32_0 = arith.constant 0 : i32
    return %arg0, %c0_i32 : i32, i32
  }
  func.func @transform_4(%arg0: i32) -> (i32, i32) {
    %c0_i32 = arith.constant 0 : i32
    %c0_i32_0 = arith.constant 0 : i32
    return %arg0, %c0_i32 : i32, i32
  }
  func.func @transform_5(%arg0: i32) -> (i32, i32) {
    %c0_i32 = arith.constant 0 : i32
    %c0_i32_0 = arith.constant 0 : i32
    return %arg0, %c0_i32 : i32, i32
  }
  func.func @transform_6(%arg0: i32) -> (i32, i32) {
    %c0_i32 = arith.constant 0 : i32
    %c0_i32_0 = arith.constant 0 : i32
    return %arg0, %c0_i32 : i32, i32
  }
  func.func @transform_7(%arg0: i32) -> (i32, i32) {
    %c0_i32 = arith.constant 0 : i32
    %c0_i32_0 = arith.constant 0 : i32
    return %arg0, %c0_i32 : i32, i32
  }
  func.func @transform_8(%arg0: i32) -> (i32, i32) {
    %c0_i32 = arith.constant 0 : i32
    %c0_i32_0 = arith.constant 0 : i32
    return %arg0, %c0_i32 : i32, i32
  }
  func.func @transform_9(%arg0: i32) -> (i32, i32) {
    %c0_i32 = arith.constant 0 : i32
    %c0_i32_0 = arith.constant 0 : i32
    %c0_i32_1 = arith.constant 0 : i32
    return %c0_i32, %c0_i32_0 : i32, i32
  }
  func.func @transform_10(%arg0: i32) -> (i32, i32) {
    %c65535_i32 = arith.constant 65535 : i32
    %c0_i32 = arith.constant 0 : i32
    %c0_i32_0 = arith.constant 0 : i32
    return %c65535_i32, %c0_i32 : i32, i32
  }
  func.func @transform_11(%arg0: i32) -> (i32, i32) {
    %c0_i32 = arith.constant 0 : i32
    %c0_i32_0 = arith.constant 0 : i32
    return %arg0, %c0_i32 : i32, i32
  }
}

</mosaic_0001>

<sc_bundles>
// kernel: kernel.5.cloned.1.call-start
scs
__scs_entry_jumppad:
0x0: {  	(pc) =	sbr.rel $0x88, $3  }
0x1: {  	(tag) =	ssettag $0x0;
	lr =	simm.s32 $0x1  }
0x2: {  	[smem:$0x3F93] =	sst lr;
	_ =	strace $0xD0000000  }
0x3: {  	_ = 	snop  }
0x4: {  	_ = 	snop  }
0x5: {  	_ = 	snop  }
0x6: {  	_ = 	snop  }
0x7: {  	_ = 	snop  }
__scs_overlays_trampoline_lowered:
0x8: {  	[smem:$0x3FA2] =	sst s0  }
0x9: {  	[smem:$0x3FA3] =	sst s1  }
0xa: {  	[smem:$0x3FA4] =	sst s2  }
0xb: {  	[smem:$0x3FA5] =	sst s3  }
0xc: {  	[smem:$0x3FA6] =	sst s4  }
0xd: {  	[smem:$0x3FA7] =	sst s5  }
0xe: {  	[smem:$0x3FA8] =	sst s6  }
0xf: {  	[smem:$0x3FA9] =	sst s7  }
0x10: {  	[smem:$0x3FAA] =	sst s8  }
0x11: {  	[smem:$0x3FAB] =	sst s9;
	s0 =	simm.s32 @!p0 $0x0  }
0x12: {  	s1 =	sld [smem:$0x3F91];
	s0 =	simm.s32 @p0 $0x1  }
0x13: {  	[smem:$0x3FAC] =	sst s0;
	s0 =	simm.s32 @!p1 $0x0  }
0x14: {  	s2 =	sld [smem:$0x3F90];
	s0 =	simm.s32 @p1 $0x1  }
0x15: {  	[smem:$0x3FAD] =	sst s0;
	s0 =	simm.s32 @!p2 $0x0  }
0x16: {  	s3 =	sld [smem:$0x3FDB];
	s0 =	simm.s32 @p2 $0x1  }
0x17: {  	s4 =	simm.s32 $0x1BF5;
	[smem:$0x3FAF] =	sst s0  }
0x18: {  	s0 =	sld [smem:$0x3F92];
	_ =	swait.ge [sflag:s4], $0x0  }
0x19: {  	s7 =	sld [smem:$0x3F93]  }
0x1a: {  	s8 =	sadd.s32 $0xFFFFE003, lr  }
0x1b: {  	s9 =	sadd.s32 $0xFFFFFEF7, lr;
	s5 =	simm.s32 $0xFFFFFFFF;
	p2 =	slt.u32 s8, $0xFFFFF086  }
0x1c: {  	p1 =	slt.u32 s9, $0xF7A;
	s5 =	simm.s32 @!p2 $0x0  }
0x1d: {  	s5 =	simm.s32 @p1 $0x1;
	p0 =	seq.s32 s7, s2  }
0x1e: {  	s7 =	smul.u32 @!p0 $0xF7A, s2;
	p2 =	seq.s32 @!p0 s5, $0x0  }
0x1f: {  	s9 =	smul.u32 $0xF7A, s1;
	s8 =	simm.s32 @!p0 $0x1BF5;
	p2 =	por !p2, p0  }
0x20: {  	[sflag:s8] =	ssyncset.s32 @!p0 $0xFFFFF086;
	s6 =	sadd.s32 @!p0 s3, s7;
	s7 =	simm.s32 @!p0 $0x108  }
0x21: {  	s3 =	sadd.s32 s3, s9;
	s6 =	sadd.s32 @!p0 $0x88, s6;
	s7 =	simm.s32 @p2 $0x1082  }
0x22: {  	[simem:s7], [sflag:s8] =	dma.local @!p0 [hbm:s6], $0xF7A  }
0x23: {  	s9 =	sor.u32 $0xD0000000, s2;
	s6 =	simm.s32 $0x108;
	_ =	swait.ge @!p0 [sflag:s8], $0x0  }
0x24: {  	s3 =	sadd.s32 $0x88, s3;
	s6 =	simm.s32 @!p1 $0x1082;
	[sflag:s4] =	ssyncset.s32 $0xFFFFF086  }
0x25: {  	[simem:s6], [sflag:s4] =	dma.local [hbm:s3], $0xF7A  }
0x26: {  	[smem:$0x3F93] =	sst s1;
	(tag) =	ssettag s2;
	_ =	strace s9  }
0x27: {  	s1 =	sld [smem:$0x3FA3]  }
0x28: {  	s2 =	sld [smem:$0x3FA4]  }
0x29: {  	s4 =	sld [smem:$0x3FA6]  }
0x2a: {  	p0 =	seq.s32 s5, $0x0;
	s5 =	sld [smem:$0x3FA7]  }
0x2b: {  	s6 =	sld [smem:$0x3FA8]  }
0x2c: {  	s7 =	sld [smem:$0x3FA9]  }
0x2d: {  	s3 =	simm.s32 $0x108;
	s8 =	sld [smem:$0x3FAA]  }
0x2e: {  	s3 =	simm.s32 @!p0 $0x1082;
	s9 =	sld [smem:$0x3FAB]  }
0x2f: {  	lr =	sadd.s32 s0, s3;
	s0 =	sld [smem:$0x3FA2]  }
0x30: {  	s3 =	sld [smem:$0x3FA5]  }
0x31: {  	[smem:$0x3FAE] =	sst s10  }
0x32: {  	s10 =	sld [smem:$0x3FAC];
	_ =	sdelay $0x3  }
0x33: {  	p0 =	seq.s32 s10, $0x1;
	s10 =	sld [smem:$0x3FAE];
	_ =	sdelay $0x3  }
0x34: {  	[smem:$0x3FAE] =	sst s10  }
0x35: {  	s10 =	sld [smem:$0x3FAD];
	_ =	sdelay $0x3  }
0x36: {  	p1 =	seq.s32 s10, $0x1;
	s10 =	sld [smem:$0x3FAE];
	_ =	sdelay $0x3  }
0x37: {  	[smem:$0x3FAE] =	sst s10  }
0x38: {  	s10 =	sld [smem:$0x3FAF]  }
0x39: {  	_ = 	snop;
	(pc) =	sbr.ind lr, $3  }
0x3a: {  	_ = 	snop  }
0x3b: {  	_ = 	snop  }
0x3c: {  	p2 =	seq.s32 s10, $0x1;
	s10 =	sld [smem:$0x3FAE]  }
0x3d: {  	_ =	shalt  }
0x3e: {  	_ =	shalt  }
0x3f: {  	_ =	shalt  }
0x40: {  	_ =	shalt  }
0x41: {  	_ =	shalt  }
0x42: {  	_ =	shalt  }
0x43: {  	_ =	shalt  }
0x44: {  	_ =	shalt  }
0x45: {  	_ =	shalt  }
0x46: {  	_ =	shalt  }
0x47: {  	_ =	shalt  }
0x48: {  	_ =	shalt  }
0x49: {  	_ =	shalt  }
0x4a: {  	_ =	shalt  }
0x4b: {  	_ =	shalt  }
0x4c: {  	_ =	shalt  }
0x4d: {  	_ =	shalt  }
0x4e: {  	_ =	shalt  }
0x4f: {  	_ =	shalt  }
0x50: {  	_ =	shalt  }
0x51: {  	_ =	shalt  }
0x52: {  	_ =	shalt  }
0x53: {  	_ =	shalt  }
0x54: {  	_ =	shalt  }
0x55: {  	_ =	shalt  }
0x56: {  	_ =	shalt  }
0x57: {  	_ =	shalt  }
0x58: {  	_ =	shalt  }
0x59: {  	_ =	shalt  }
0x5a: {  	_ =	shalt  }
0x5b: {  	_ =	shalt  }
0x5c: {  	_ =	shalt  }
0x5d: {  	_ =	shalt  }
0x5e: {  	_ =	shalt  }
0x5f: {  	_ =	shalt  }
0x60: {  	_ =	shalt  }
0x61: {  	_ =	shalt  }
0x62: {  	_ =	shalt  }
0x63: {  	_ =	shalt  }
0x64: {  	_ =	shalt  }
0x65: {  	_ =	shalt  }
0x66: {  	_ =	shalt  }
0x67: {  	_ =	shalt  }
0x68: {  	_ =	shalt  }
0x69: {  	_ =	shalt  }
0x6a: {  	_ =	shalt  }
0x6b: {  	_ =	shalt  }
0x6c: {  	_ =	shalt  }
0x6d: {  	_ =	shalt  }
0x6e: {  	_ =	shalt  }
0x6f: {  	_ =	shalt  }
0x70: {  	_ =	shalt  }
0x71: {  	_ =	shalt  }
0x72: {  	_ =	shalt  }
0x73: {  	_ =	shalt  }
0x74: {  	_ =	shalt  }
0x75: {  	_ =	shalt  }
0x76: {  	_ =	shalt  }
0x77: {  	_ =	shalt  }
0x78: {  	_ =	shalt  }
0x79: {  	_ =	shalt  }
0x7a: {  	_ =	shalt  }
0x7b: {  	_ =	shalt  }
0x7c: {  	_ =	shalt  }
0x7d: {  	_ =	shalt  }
0x7e: {  	_ =	shalt  }
0x7f: {  	_ =	shalt  }
0x80: {  	_ =	shalt  }
0x81: {  	_ =	shalt  }
0x82: {  	_ =	shalt  }
0x83: {  	_ =	shalt  }
0x84: {  	_ =	shalt  }
0x85: {  	_ =	shalt  }
0x86: {  	_ =	shalt  }
0x87: {  	_ =	shalt  }
.Lfunc_end0:
.L_simem_size_0:
called_computation_lowered:
.L_overlay_start_0:
0x88: {  	s2 =	sld [smem:$0x3FD9]  }
0x89: {  	s3 =	sld [smem:$0x3FFE];
	_ =	sdelay $0x1  }
0x8a: {  	s1 =	srdreg.scid  }
0x8b: {  	s0 =	sand.u32 $0x1, s1  }
0x8c: {  	s17 =	sshll.u32 s0, $0xA;
	s2 =	sadd.s32 s3, s2  }
0x8d: {  	s2 =	sadd.s32 s2, s17  }
0x8e: {  	[smem:$0x3FBA] =	sst s2  }
0x8f: {  	_ = 	snop  }
0x90: {  	s2 =	sld [smem:$0x3FC6]  }
0x91: {  	s18 =	sld [smem:$0x3FC5]  }
0x92: {  	s4 =	sld [smem:$0x3FC3]  }
0x93: {  	s5 =	sld [smem:$0x3FD0];
	(tm) =	ssettm $0x1  }
0x94: {  	s6 =	sld [smem:$0x3FFB];
	_ =	sdelay $0x3  }
0x95: {  	_ =	strace s6  }
0x96: {  	s6 =	sld [smem:$0x3FFC];
	_ =	sdelay $0x3  }
0x97: {  	_ =	strace s6  }
0x98: {  	s6 =	sld [smem:$0x3FFD];
	_ =	sdelay $0x3  }
0x99: {  	_ =	strace s6  }
0x9a: {  	_ =	strace $0x8FFFFFFF  }
0x9b: {  	s19 =	sld [smem:$0x3FDB];
	_ =	sdelay $0x1  }
0x9c: {  	s7 =	simm.s32 $_scs_section_size  }
0x9d: {  	s8 =	simm.s32 $_size__tile_overlayer_lowered;
	s9 =	simm.s32 $_tile_overlayer_lowered  }
0x9e: {  	s22 =	simm.s32 $0x1BFF;
	s21 =	sshll.u32 s9, $0x1;
	s6 =	sadd.s32 s7, s19  }
0x9f: {  	s10 =	simm.s32 $0x0;
	s20 =	sshll.u32 s8, $0x1;
	s8 =	sadd.s32 s21, s6  }
0xa0: {  	[timem:s10], [sflag:s22] =	dma.local [hbm:s8], s20  }
0xa1: {  	_ =	swait.ge [sflag:s22], s20  }
0xa2: {  	s7 =	ssub.s32 $0x0, s20;
	[sflag:s22] =	ssyncset.done $0x0  }
0xa3: {  	[sflag:s22] =	ssyncadd.s32 s7;
	_ =	sdelay $0x1  }
0xa4: {  	s23 =	simm.s32 $0x1B8B  }
0xa5: {  	_ =	swait.ge [sflag:s23], $0x1  }
0xa6: {  	[sflag:s23] =	ssyncset.done $0x0  }
0xa7: {  	s25 =	simm.s32 $0x1B8E;
	s24 =	sld [smem:$0x3FFE];
	[sflag:s23] =	ssyncadd.s32 $0xFFFFFFFF  }
0xa8: {  	s26 =	simm.s32 $execute0_lowered;
	[smem:$0x3FD2] =	sst s25  }
0xa9: {  	s8 =	sshll.u32 s26, $0x1;
	_ =	strace $0x80000046;
	[dreg:$0x1] =	wrdreg $0xFFFFFFFF  }
0xaa: {  	s28 =	simm.s32 $_size_execute0_lowered;
	s6 =	sadd.s32 s6, s8;
	[dreg:$0x0] =	wrdreg $0x0  }
0xab: {  	s8 =	sshll.u32 s28, $0x1;
	[dreg:$0x2] =	wrdreg s6  }
0xac: {  	[dreg:$0x3] =	wrdreg s8  }
0xad: {  	[dreg:$0x4] =	wrdreg $0xC0  }
0xae: {  	_ =	task [dreg:s10], $0x5FFFF  }
0xaf: {  	[dreg:$0x1] =	wrdreg $0xFFFFFFFF  }
0xb0: {  	[dreg:$0x0] =	wrdreg $0x60  }
0xb1: {  	[dreg:$0x2] =	wrdreg s24  }
0xb2: {  	[dreg:$0x3] =	wrdreg s2  }
0xb3: {  	[dreg:$0x4] =	wrdreg s18  }
0xb4: {  	[dreg:$0x5] =	wrdreg s4  }
0xb5: {  	[dreg:$0x6] =	wrdreg s5  }
0xb6: {  	[dreg:$0x7] =	wrdreg $0x118000  }
0xb7: {  	[dreg:$0x8] =	wrdreg $0x9  }
0xb8: {  	_ =	task.clear_ibuf [dreg:s10], $0x9FFFF;
	_ =	strace $0x90000046  }
0xb9: {  	s29 =	simm.s32 $0x9;
	_ =	strace $0x80000048  }
0xba: {  	_ =	swait.ge [sflag:s29], $0x1  }
0xbb: {  	[sflag:s29] =	ssyncadd.s32 $0xFFFFFFFF  }
0xbc: {  	_ =	strace $0x90000048  }
0xbd: {  	_ =	sfence  }
0xbe: {  	s30 =	sld [smem:$0x0];
	_ =	sdelay $0x2  }
0xbf: {  	s31 =	sshll.u32 s1, $0xD;
	s1 =	sshrl.u32 s1, $0x2  }
0xc0: {  	s3 =	sand.u32 $0x4000, s31;
	s1 =	sadd.s32 s1, s30  }
0xc1: {  	s0 =	sor.u32 s3, s0;
	s1 =	sshll.u32 s1, $0x11  }
0xc2: {  	s0 =	sor.u32 s1, s0  }
0xc3: {  	s0 =	sadd.s32 $0x8F2B, s0  }
0xc4: {  	[sflag:s0] =	ssyncadd.remote.s32 $0x1  }
0xc5: {  	_ =	sfence.sel $0xFFFF  }
0xc6: {  	[dreg:$0x0] =	wrdreg $0xFFFFFFFF;
	(pc) =	sbr.abs _section_cstart, $3  }
0xc7: {  	[dreg:$0x1] =	wrdreg $0xFFFFFFFF  }
0xc8: {  	_ =	task.clear_ibuf [dreg:s10], $0x2FFFF;
	_ =	strace $0x9FFFFFFF  }
0xc9: {  	(tm) =	ssettm $0x7FFFFFFF  }
tec
execute0_lowered:
.L_overlay_start_1:
0x0: {  	(tag) =	ssettag $0x1  }
0x1: {  	s0 =	rddreg [dreg:$0x0]  }
0x2: {  	s5 =	rddreg [dreg:$0x5]  }
0x3: {  	s6 =	simm.s32 $0x0;
	s25 =	srdreg.scid;
	s2 =	stileid.u32  }
0x4: {  	s18 =	simm.s32 $0x2;
	s20 =	simm.s32 $0x200;
	[smem:$0x7FF] =	sst s6  }
0x5: {  	v0 =	vimm.f32 $1.800000000e+02;
	s21 =	simm.s32 $0x400;
	s22 =	simm.s32 $0x600;
	_ =	strace $0x80000047  }
0x6: {  	s23 =	simm.s32 $0x800;
	s24 =	simm.s32 $0xA00;
	s28 =	simm.s32 $0x1000;
	(erf) = vrcp.f32 v0  }
0x7: {  	s29 =	simm.s32 $0x1200;
	s30 =	simm.s32 $0x1400;
	s31 =	simm.s32 $0x1  }
0x8: {  	s1 =	sadd.s32 $0x93000, s0;
	s8 =	sadd.s32 $0x23000, s0;
	s9 =	sadd.s32 $0x13000, s0  }
0x9: {  	s10 =	sadd.s32 $0x3000, s0;
	s11 =	sadd.s32 $0x73000, s0;
	s12 =	sadd.s32 $0x83000, s0  }
0xa: {  	s13 =	sadd.s32 $0x63000, s0;
	[dreg:$0x7] =	wrdreg s1;
	s1 =	sand.u32 $0x1, s25  }
0xb: {  	s14 =	sshll.u32 s2, $0xB;
	s0 =	sadd.s32 $0x96A00, s0;
	s3 =	ssub.s32 $0x2, s1  }
0xc: {  	p0 =	sne.s32 s2, $0x0;
	s1 =	sshll.u32 s1, $0xA;
	s7 =	sshrl.u32 s3, $0x1  }
0xd: {  	[dreg:$0x8] =	wrdreg s0;
	s1 =	sor.u32 s1, s14;
	s26 =	ssub.s32 s3, s7  }
0xe: {  	s25 =	simm.s32 $0xC00;
	s15 =	sor.u32 $0x78000, s1;
	s0 =	smax.u32 s26, $0x1  }
0xf: {  	s1 =	simm.s32 $0x0;
	[dreg:$0x9] =	wrdreg s0;
	s0 =	sshrl.u32 @!p0 s5, $0x3;
	v10 =	vpop (erf)  }
0x10: {  	v11 =	vimm.f32 $0.0e+00;
	s7 =	simm.s32 $0x0;
	s26 =	simm.s32 $0xE00;
	[dreg:$0xa] =	wrdreg s0;
	[tilespmem:$0x1FFF0] =	vst v10  }
.LBB2_1:
0x11: {  	[dreg:$0xb] =	wrdreg s1  }
0x12: {  	s0 =	rddreg [dreg:$0x8];
	s19 =	simm.s32 $0x11400  }
0x13: {  	[tilespmem:s19], [sflag:$0x2] =	stream.linear.gather [hbm4b:s0+s6], $0x400, $0x38;
	[tilespmem:$0x13440] =	vst v63  }
0x14: {  	_ =	swait.ge [sflag:s18], $0x400  }
0x15: {  	[sflag:s18] =	ssyncset.done $0x0;
	s1 =	rddreg [dreg:$0x7]  }
0x16: {  	s0 =	simm.s32 @!p0 $0x1C02;
	s2 =	rddreg [dreg:$0xa];
	[sflag:s18] =	ssyncadd.s32 $0xFFFFFC00  }
0x17: {  	[spmem:s2], [sflag:s0] =	dma.local @!p0 [hbm:s1], $0x3880  }
0x18: {  	s0 =	simm.s32 @!p0 $0x2  }
0x19: {  	_ =	swait.ge @!p0 [sflag:s0], $0x3880  }
0x1a: {  	[sflag:s0] =	ssyncset.done @!p0 $0x0  }
0x1b: {  	[sflag:s0] =	ssyncadd.s32 @!p0 $0xFFFFC780  }
0x1c: {  	p2 =	por $0x1, $0x1;
	s0 =	simm.s32 $0x0;
	[bflag:$0x0] =	sbarrier.arrive $0xFFFF  }
.LBB2_2:
0x1d: {  	s17 =	sor.u32 s15, s0  }
0x1e: {  	s0 =	sshrl.u32 s17, $0x3  }
0x1f: {  	s2 =	simm.s32 $0x0;
	s1 =	sadd.s32 s8, s0  }
0x20: {  	[tilespmem:s2], [sflag:$0x2] =	stream.linear.gather [hbm4b:s1+s2], $0x200, $0x38;
	[tilespmem:$0x13440] =	vst v63  }
0x21: {  	_ =	swait.ge [sflag:s18], $0x200  }
0x22: {  	[sflag:s18] =	ssyncset.done $0x0  }
0x23: {  	s16 =	sadd.s32 s9, s0;
	[sflag:s18] =	ssyncadd.s32 $0xFFFFFE00  }
0x24: {  	[tilespmem:s20], [sflag:$0x2] =	stream.linear.gather [hbm4b:s16+s2], $0x200, $0x38;
	[tilespmem:$0x13440] =	vst v63  }
0x25: {  	_ =	swait.ge [sflag:s18], $0x200  }
0x26: {  	[sflag:s18] =	ssyncset.done $0x0  }
0x27: {  	s19 =	sadd.s32 s10, s0;
	[sflag:s18] =	ssyncadd.s32 $0xFFFFFE00  }
0x28: {  	[tilespmem:s21], [sflag:$0x2] =	stream.linear.gather [hbm4b:s19+s2], $0x200, $0x38;
	[tilespmem:$0x13440] =	vst v63  }
0x29: {  	_ =	swait.ge [sflag:s18], $0x200  }
0x2a: {  	[sflag:s18] =	ssyncset.done $0x0  }
0x2b: {  	[sflag:s18] =	ssyncadd.s32 $0xFFFFFE00  }
0x2c: {  	s3 =	rddreg [dreg:$0x3]  }
0x2d: {  	s1 =	sadd.s32 s3, s0  }
0x2e: {  	[tilespmem:s22], [sflag:$0x2] =	stream.linear.gather [hbm4b:s1+s2], $0x200, $0x38;
	[tilespmem:$0x13440] =	vst v63  }
0x2f: {  	_ =	swait.ge [sflag:s18], $0x200  }
0x30: {  	[sflag:s18] =	ssyncset.done $0x0  }
0x31: {  	[sflag:s18] =	ssyncadd.s32 $0xFFFFFE00  }
0x32: {  	s4 =	rddreg [dreg:$0x1]  }
0x33: {  	s1 =	sadd.s32 s4, s0  }
0x34: {  	[tilespmem:s23], [sflag:$0x2] =	stream.linear.gather [hbm4b:s1+s2], $0x200, $0x38;
	[tilespmem:$0x13440] =	vst v63  }
0x35: {  	_ =	swait.ge [sflag:s18], $0x200  }
0x36: {  	[sflag:s18] =	ssyncset.done $0x0  }
0x37: {  	[sflag:s18] =	ssyncadd.s32 $0xFFFFFE00  }
0x38: {  	s14 =	rddreg [dreg:$0x2]  }
0x39: {  	s1 =	sadd.s32 s14, s0  }
0x3a: {  	[tilespmem:s24], [sflag:$0x2] =	stream.linear.gather [hbm4b:s1+s2], $0x200, $0x38;
	[tilespmem:$0x13440] =	vst v63  }
0x3b: {  	_ =	swait.ge [sflag:s18], $0x200  }
0x3c: {  	[sflag:s18] =	ssyncset.done $0x0  }
0x3d: {  	s16 =	sadd.s32 s11, s0;
	[sflag:s18] =	ssyncadd.s32 $0xFFFFFE00  }
0x3e: {  	[tilespmem:s25], [sflag:$0x2] =	stream.linear.gather [hbm4b:s16+s2], $0x200, $0x38;
	[tilespmem:$0x13440] =	vst v63  }
0x3f: {  	_ =	swait.ge [sflag:s18], $0x200  }
0x40: {  	[sflag:s18] =	ssyncset.done $0x0  }
0x41: {  	s19 =	sadd.s32 s12, s0;
	[sflag:s18] =	ssyncadd.s32 $0xFFFFFE00  }
0x42: {  	[tilespmem:s26], [sflag:$0x2] =	stream.linear.gather [hbm4b:s19+s2], $0x200, $0x38;
	[tilespmem:$0x13440] =	vst v63  }
0x43: {  	_ =	swait.ge [sflag:s18], $0x200  }
0x44: {  	[sflag:s18] =	ssyncset.done $0x0  }
0x45: {  	s0 =	sadd.s32 s13, s0;
	[sflag:s18] =	ssyncadd.s32 $0xFFFFFE00  }
0x46: {  	[tilespmem:s28], [sflag:$0x2] =	stream.linear.gather [hbm4b:s0+s2], $0x200, $0x38;
	[tilespmem:$0x13440] =	vst v63  }
0x47: {  	_ =	swait.ge [sflag:s18], $0x200  }
0x48: {  	[sflag:s18] =	ssyncset.done $0x0  }
0x49: {  	s0 =	simm.s32 $0x0;
	[sflag:s18] =	ssyncadd.s32 $0xFFFFFE00  }
0x4a: {  	v0 =	vld [tilespmem:s0+$0x600]  }
0x4b: {  	v1 =	vld [tilespmem:s0+$0x800]  }
0x4c: {  	v2 =	vld [tilespmem:s0+$0xC00]  }
0x4d: {  	v3 =	vld [tilespmem:s0+$0xE00]  }
0x4e: {  	v4 =	vld [tilespmem:s0+$0xA00]  }
0x4f: {  	v5 =	vld [tilespmem:s0+$0x1000]  }
0x50: {  	vm0 =	veq.s32 v0, $0x0  }
0x51: {  	v0 =	vmul.f32 v2, v10;
	v7 =	vsel vm0, $0x3F800000, v11  }
0x52: {  	v6 =	vld [tilespmem:s0+$0x0];
	v1 =	vmul.f32 v1, v7  }
0x53: {  	v8 =	vld [tilespmem:s0+$0x200];
	v2 =	vmul.f32 v3, v10;
	vm1 =	vclass.f32 v0, $0x102  }
0x54: {  	v3 =	vmul.f32 v4, v7;
	v4 =	vmul.f32 v5, v10;
	[tilespmem:s0+$0x800] =	vst v1;
	v1 =	vsel vm1, $0x0, v0  }
0x55: {  	s1 =	simm.s32 $0x10;
	v9 =	vld [tilespmem:s0+$0x400];
	vm1 =	vclass.f32 v2, $0x102;
	v5 =	vmul.f32 v1, v7  }
0x56: {  	v0 =	vld [tilespmem:s1+$0x600];
	[tilespmem:s0+$0xA00] =	vst v3;
	v2 =	vsel vm1, $0x0, v2;
	vm1 =	vclass.f32 v4, $0x102  }
0x57: {  	v1 =	vld [tilespmem:s1+$0x800];
	v3 =	vmul.f32 v2, v7;
	v4 =	vsel vm1, $0x0, v4;
	[tilespmem:s0+$0xC00] =	vst v5;
	v5 =	vmul.u32 $0x1C, v6  }
0x58: {  	v6 =	vshll.u32 v8, $0x2;
	v7 =	vmul.f32 v4, v7  }
0x59: {  	v2 =	vld [tilespmem:s1+$0xC00];
	[tilespmem:s0+$0xE00] =	vst v3;
	v4 =	vadd.s32 v5, v6  }
0x5a: {  	p1 =	por p2, p2;
	s2 =	simm.s32 $0x80;
	v3 =	vld [tilespmem:s1+$0xE00];
	[tilespmem:s0+$0x1000] =	vst v7;
	v4 =	vadd.s32 v9, v4  }
.LBB2_3:
0x5b: {  	p2 =	sne.s32 s2, $0x7C0;
	v5 =	vld [tilespmem:s1+$0x1000];
	v4 =	vnsel vm0, $0x380, v4  }
0x5c: {  	v6 =	vld [tilespmem:s1+$0xA00];
	[tilespmem:s0+$0x1200] =	vst v4;
	s0 =	smov.u32 s1  }
0x5d: {  	v4 =	vld [tilespmem:s0+$0x0]  }
0x5e: {  	vm0 =	veq.s32 v0, $0x0;
	v7 =	vld [tilespmem:s0+$0x200];
	v0 =	vmul.f32 v2, v10  }
0x5f: {  	v2 =	vsel vm0, $0x3F800000, v11;
	v8 =	vld [tilespmem:s0+$0x400];
	v3 =	vmul.f32 v3, v10  }
0x60: {  	v1 =	vmul.f32 v1, v2;
	vm1 =	vclass.f32 v0, $0x102;
	v5 =	vmul.f32 v5, v10  }
0x61: {  	v6 =	vmul.f32 v6, v2;
	v0 =	vsel vm1, $0x0, v0;
	vm1 =	vclass.f32 v3, $0x102  }
.Ltmp0:
0x62: {  	s1 =	sshra.s32 s2, $0x2;
	[tilespmem:s0+$0x800] =	vst v1;
	v9 =	vmul.f32 v0, v2;
	v1 =	vsel vm1, $0x0, v3;
	vm1 =	vclass.f32 v5, $0x102;
	(pc) =	sbr.rel @p2 .LBB2_3-.Ltmp0, $4  }
0x63: {  	v3 =	vmul.u32 $0x1C, v4;
	v0 =	vld [tilespmem:s1+$0x600];
	[tilespmem:s0+$0xA00] =	vst v6;
	v4 =	vmul.f32 v1, v2;
	v5 =	vsel vm1, $0x0, v5  }
0x64: {  	v6 =	vshll.u32 v7, $0x2;
	v1 =	vld [tilespmem:s1+$0x800];
	[tilespmem:s0+$0xC00] =	vst v9;
	v5 =	vmul.f32 v5, v2  }
0x65: {  	v6 =	vadd.s32 v3, v6;
	v2 =	vld [tilespmem:s1+$0xC00];
	[tilespmem:s0+$0xE00] =	vst v4  }
0x66: {  	s2 =	sadd.s32 $0x40, s2;
	v4 =	vadd.s32 v8, v6;
	v3 =	vld [tilespmem:s1+$0xE00];
	[tilespmem:s0+$0x1000] =	vst v5  }
0x67: {  	_ = 	snop  }
0x68: {  	v5 =	vld [tilespmem:s1+$0x1000];
	v4 =	vnsel vm0, $0x380, v4  }
0x69: {  	v6 =	vld [tilespmem:s1+$0xA00];
	[tilespmem:s0+$0x1200] =	vst v4  }
0x6a: {  	v4 =	vld [tilespmem:s1+$0x0];
	v2 =	vmul.f32 v2, v10  }
0x6b: {  	vm13 =	veq.s32 v0, $0x0;
	v7 =	vld [tilespmem:s1+$0x200]  }
0x6c: {  	v0 =	vsel vm13, $0x3F800000, v11;
	v3 =	vmul.f32 v3, v10;
	vm1 =	vclass.f32 v2, $0x102  }
0x6d: {  	v8 =	vld [tilespmem:s1+$0x400];
	v1 =	vmul.f32 v1, v0;
	v5 =	vmul.f32 v5, v10;
	v2 =	vsel vm1, $0x0, v2  }
0x6e: {  	v6 =	vmul.f32 v6, v0;
	vm14 =	vclass.f32 v3, $0x102;
	v2 =	vmul.f32 v2, v0  }
0x6f: {  	[tilespmem:s1+$0x800] =	vst v1;
	v57 =	vsel vm14, $0x0, v3;
	vm15 =	vclass.f32 v5, $0x102;
	v58 =	vmul.u32 $0x1C, v4  }
0x70: {  	[tilespmem:s1+$0xA00] =	vst v6;
	v60 =	vshll.u32 v7, $0x2;
	v1 =	vmul.f32 v57, v0;
	v59 =	vsel vm15, $0x0, v5  }
0x71: {  	[tilespmem:s1+$0xC00] =	vst v2;
	v0 =	vmul.f32 v59, v0;
	v61 =	vadd.s32 v58, v60  }
0x72: {  	[tilespmem:s1+$0xE00] =	vst v1;
	v62 =	vadd.s32 v8, v61  }
0x73: {  	[tilespmem:s1+$0x1000] =	vst v0;
	v63 =	vnsel vm13, $0x380, v62  }
0x74: {  	[tilespmem:s1+$0x1200] =	vst v63  }
0x75: {  	[tilespmem:s30], [sflag:$0x1] =	stream.indirect.gather [spmem:s5], $0x80, s29, s20, $0xb8;
	[tilespmem:$0x13440] =	vst v63  }
0x76: {  	_ =	swait.ge [sflag:s31], $0x10000  }
0x77: {  	[sflag:s31] =	ssyncset.done $0x0  }
0x78: {  	s16 =	simm.s32 $0x0;
	s0 =	simm.s32 $0x1480;
	[sflag:s31] =	ssyncadd.s32 $0xFFFF0000  }
.LBB2_5:
0x79: {  	v26 =	vld [tilespmem:$0x11400]  }
0x7a: {  	v32 =	vld [tilespmem:$0x11410]  }
0x7b: {  	v49 =	vld [tilespmem:$0x11420]  }
0x7c: {  	v29 =	vld [tilespmem:$0x11430]  }
0x7d: {  	v57 =	vld [tilespmem:$0x11440]  }
0x7e: {  	v60 =	vld [tilespmem:$0x11450]  }
0x7f: {  	v15 =	vld [tilespmem:$0x11460]  }
0x80: {  	v16 =	vld [tilespmem:$0x11470]  }
0x81: {  	v18 =	vld [tilespmem:$0x11480]  }
0x82: {  	v48 =	vld [tilespmem:$0x11490]  }
0x83: {  	v30 =	vld [tilespmem:$0x114A0]  }
0x84: {  	v27 =	vld [tilespmem:$0x114B0]  }
0x85: {  	v31 =	vld [tilespmem:$0x114C0]  }
0x86: {  	v39 =	vld [tilespmem:$0x114E0]  }
0x87: {  	v20 =	vld [tilespmem:$0x114F0]  }
0x88: {  	v17 =	vld [tilespmem:$0x11520]  }
0x89: {  	v36 =	vld [tilespmem:$0x11540]  }
0x8a: {  	v33 =	vld [tilespmem:$0x11560]  }
0x8b: {  	s1 =	sshll.u32 s16, $0x4;
	v34 =	vld [tilespmem:$0x115A0]  }
0x8c: {  	v21 =	vld [tilespmem:s1+$0x800]  }
0x8d: {  	v22 =	vld [tilespmem:s1+$0xA00]  }
0x8e: {  	s19 =	simm.s32 $0x1;
	v23 =	vld [tilespmem:s1+$0xC00]  }
0x8f: {  	v25 =	vld [tilespmem:s1+$0x1000];
	v0 =	vmov s19  }
0x90: {  	v24 =	vld [tilespmem:s1+$0xE00];
	v0 =	vand.u32 $0xF, v0  }
0x91: {  	v5 =	vld [tilespmem:$0x11600];
	v0 =	vbroadcast v0, $0x0  }
0x92: {  	v13 =	vld [tilespmem:$0x115D0]  }
0x93: {  	v1 =	vld [tilespmem:s0+$0x0];
	v2 =	vperm.xlane v21, v0  }
0x94: {  	v4 =	vld [tilespmem:s0+$0x40];
	v3 =	vperm.xlane v25, v0;
	v6 =	vperm.xlane v23, v0  }
0x95: {  	v9 =	vld [tilespmem:s0+$0x60];
	v7 =	vperm.xlane v24, v0;
	v0 =	vperm.xlane v22, v0  }
0x96: {  	v35 =	vld [tilespmem:$0x115C0];
	[tilespmem:$0x1FDE0] =	vst v5;
	v8 =	vmul.f32 v2, v26;
	v11 =	vmul.f32 v3, v5  }
0x97: {  	v42 =	vld [tilespmem:$0x115E0];
	[tilespmem:$0x1FDF0] =	vst v13;
	v12 =	vmul.f32 v2, v49;
	v5 =	vmul.f32 v7, v13  }
0x98: {  	v53 =	vld [tilespmem:$0x11670];
	[tilespmem:$0x1FE00] =	vst v15;
	v13 =	vmul.f32 v2, v57;
	v15 =	vmul.f32 v2, v15  }
0x99: {  	v10 =	vld [tilespmem:s0+$0x20];
	[tilespmem:$0x1FE10] =	vst v16;
	v50 =	vmul.f32 v2, v60;
	v16 =	vmul.f32 v2, v16  }
0x9a: {  	v14 =	vld [tilespmem:s0+$0x70];
	[tilespmem:$0x1FFC0] =	vst v39;
	v38 =	vmul.f32 v2, v32;
	v39 =	vmul.f32 v0, v39  }
0x9b: {  	v19 =	vld [tilespmem:$0x11580];
	v40 =	vmul.f32 v7, v35;
	v54 =	vmul.f32 v6, v33  }
0x9c: {  	v41 =	vld [tilespmem:$0x115F0];
	[tilespmem:$0x1FE20] =	vst v17;
	v2 =	vmul.f32 v2, v29;
	v56 =	vmul.f32 v0, v30  }
0x9d: {  	v55 =	vld [tilespmem:s0+$0x30];
	v47 =	vmov s7;
	[tilespmem:$0x1FE30] =	vst v20;
	v58 =	vmul.f32 v7, v42;
	v43 =	vmul.f32 v3, v53  }
0x9e: {  	v37 =	vld [tilespmem:$0x11570];
	[tilespmem:$0x1FE40] =	vst v18;
	v61 =	vmul.f32 v0, v27;
	v1 =	vadd.f32 v1, v8;
	v4 =	vadd.f32 v4, v13  }
0x9f: {  	v28 =	vld [tilespmem:$0x11500];
	[tilespmem:$0x1FE50] =	vst v35;
	v10 =	vadd.f32 v10, v12;
	v12 =	vmul.f32 v6, v17;
	v17 =	vmul.f32 v0, v31  }
0xa0: {  	v44 =	vld [tilespmem:$0x114D0];
	[tilespmem:$0x1FE60] =	vst v19;
	v8 =	vmul.f32 v7, v34;
	v14 =	vadd.f32 v14, v16;
	v16 =	vmul.f32 v0, v20  }
0xa1: {  	v45 =	vld [tilespmem:$0x11530];
	[tilespmem:$0x1FE70] =	vst v41;
	v9 =	vadd.f32 v9, v15;
	v4 =	vadd.f32 v4, v17;
	v17 =	vmul.f32 v0, v18  }
0xa2: {  	v46 =	vld [tilespmem:$0x115B0];
	[tilespmem:$0x1FE80] =	vst v30;
	v15 =	vmul.f32 v6, v36;
	v2 =	vadd.f32 v55, v2;
	v14 =	vadd.f32 v14, v16  }
0xa3: {  	[tilespmem:$0x1FE90] =	vst v42;
	v18 =	vld [tilespmem:$0x11660];
	v9 =	vadd.f32 v9, v39;
	v1 =	vadd.f32 v1, v17;
	v17 =	vmul.f32 v6, v37  }
0xa4: {  	[tilespmem:$0x1FEA0] =	vst v53;
	v42 =	vld [tilespmem:$0x11640];
	v16 =	vmul.f32 v7, v19;
	v10 =	vadd.f32 v10, v56;
	v4 =	vadd.f32 v4, v15  }
0xa5: {  	v62 =	vld [tilespmem:s0+$0xFFFFFF80];
	[tilespmem:$0x1FEC0] =	vst v27;
	v15 =	vmul.f32 v7, v41;
	v9 =	vadd.f32 v9, v54;
	v14 =	vadd.f32 v14, v17  }
0xa6: {  	[tilespmem:$0x1FEE0] =	vst v26;
	v13 =	vld [tilespmem:s0+$0x10];
	v2 =	vadd.f32 v2, v61;
	v4 =	vadd.f32 v4, v40;
	v17 =	vmul.f32 v6, v28  }
0xa7: {  	[tilespmem:$0x1FF00] =	vst v49;
	v9 =	vadd.f32 v9, v58;
	v40 =	vld [tilespmem:$0x11590];
	v14 =	vadd.f32 v14, v15;
	v15 =	vand.u32 $0xF, v47  }
0xa8: {  	[tilespmem:$0x1FF40] =	vst v29;
	v41 =	vld [tilespmem:$0x11510];
	v59 =	vmul.f32 v3, v18;
	v1 =	vadd.f32 v1, v17;
	v15 =	vbroadcast v15, $0x0  }
0xa9: {  	[tilespmem:$0x1FF50] =	vst v57;
	v63 =	vmul.f32 v3, v42;
	v10 =	vadd.f32 v10, v12;
	v47 =	vld [tilespmem:$0x11550];
	v17 =	vmul.f32 v6, v45  }
0xaa: {  	[tilespmem:$0x1FF60] =	vst v60;
	v39 =	vld [tilespmem:$0x11630];
	v9 =	vadd.f32 v9, v59;
	v1 =	vadd.f32 v1, v16;
	v59 =	vperm.xlane v21, v15  }
0xab: {  	[tilespmem:$0x1FF70] =	vst v32;
	v54 =	vmul.f32 v7, v46;
	v16 =	vadd.f32 v2, v17;
	v17 =	vadd.f32 v4, v63;
	v4 =	vld [tilespmem:s0+$0xFFFFFFA0]  }
0xac: {  	[tilespmem:$0x1FF80] =	vst v28;
	v13 =	vadd.f32 v13, v38;
	v56 =	vmul.f32 v7, v40;
	v7 =	vmul.f32 v59, v26  }
0xad: {  	[tilespmem:$0x1FF90] =	vst v33;
	v38 =	vld [tilespmem:$0x11610];
	v10 =	vadd.f32 v10, v8;
	v1 =	vadd.f32 v1, v11;
	v11 =	vmul.f32 v6, v41  }
0xae: {  	[tilespmem:$0x1FFB0] =	vst v31;
	v51 =	vmul.f32 v6, v47;
	v6 =	vld [tilespmem:s0+$0xFFFFFFB0];
	v61 =	vadd.f32 v62, v7;
	v7 =	vmul.f32 v59, v49  }
0xaf: {  	[tilespmem:$0x1FEB0] =	vst v18;
	v18 =	vmov v48;
	v8 =	vmul.f32 v3, v39;
	v2 =	vmul.f32 v0, v48;
	v48 =	vld [tilespmem:$0x11620]  }
0xb0: {  	[tilespmem:$0x1FFD0] =	vst v34;
	v58 =	vperm.xlane v22, v15;
	v63 =	vadd.f32 v4, v7;
	v7 =	vmul.f32 v0, v44;
	v0 =	vld [tilespmem:s0+$0xFFFFFFC0]  }
0xb1: {  	v14 =	vadd.f32 v14, v43;
	v43 =	vld [tilespmem:$0x11650];
	v52 =	vperm.xlane v25, v15;
	[tilespmem:s0+$0x0] =	vst v1;
	v1 =	vmul.f32 v59, v29  }
0xb2: {  	v53 =	vperm.xlane v24, v15;
	[tilespmem:s0+$0x60] =	vst v9;
	v2 =	vadd.f32 v13, v2;
	v13 =	vld [tilespmem:s0+$0xFFFFFFD0];
	v9 =	vmul.f32 v58, v31  }
0xb3: {  	[tilespmem:s0+$0x40] =	vst v17;
	v17 =	vmul.f32 v58, v44;
	v4 =	vadd.f32 v6, v1;
	v1 =	vmul.f32 v59, v57  }
0xb4: {  	[tilespmem:$0x1FFE0] =	vst v36;
	v12 =	vadd.f32 v2, v11;
	v11 =	vmul.f32 v59, v32;
	v62 =	vperm.xlane v23, v15  }
0xb5: {  	[tilespmem:$0x1FED0] =	vst v21;
	v15 =	vmul.f32 v59, v60;
	v6 =	vadd.f32 v16, v54;
	v16 =	vadd.f32 v0, v1  }
0xb6: {  	[tilespmem:$0x1FEF0] =	vst v22;
	v49 =	vmul.f32 v3, v38;
	v2 =	vmul.f32 v3, v48  }
0xb7: {  	[tilespmem:s0+$0x70] =	vst v14;
	v55 =	vmul.f32 v52, v48;
	v13 =	vadd.f32 v13, v15;
	v14 =	vadd.f32 v16, v9;
	v9 =	vld [tilespmem:$0x1FFC0]  }
0xb8: {  	[tilespmem:$0x1FF10] =	vst v23;
	v60 =	vmul.f32 v62, v28;
	v57 =	vmul.f32 v62, v45;
	v54 =	vadd.f32 v12, v56  }
0xb9: {  	[tilespmem:$0x1FF20] =	vst v25;
	v12 =	vmul.f32 v62, v47;
	v56 =	vmul.f32 v53, v46;
	v13 =	vadd.f32 v13, v17  }
0xba: {  	[tilespmem:$0x1FF30] =	vst v24;
	v17 =	vmul.f32 v62, v36;
	v8 =	vadd.f32 v6, v8;
	v6 =	vmul.f32 v58, v18  }
0xbb: {  	[tilespmem:$0x1FFA0] =	vst v18;
	v15 =	vld [tilespmem:s0+$0x50];
	v1 =	vmul.f32 v62, v37;
	v0 =	vmul.f32 v62, v33  }
0xbc: {  	s14 =	smov.u32 s0;
	s1 =	simm.s32 $0x2;
	s19 =	smov.u32 s0;
	[tilespmem:s0+$0x30] =	vst v8;
	v8 =	vmul.f32 v53, v34;
	v16 =	vld [tilespmem:s0+$0xFFFFFF90];
	v9 =	vmul.f32 v58, v9  }
.LBB2_6:
0xbd: {  	v32 =	vld [tilespmem:$0x1FE20]  }
0xbe: {  	v30 =	vld [tilespmem:$0x1FE80]  }
0xbf: {  	v28 =	vld [tilespmem:$0x1FEC0]  }
0xc0: {  	v31 =	vld [tilespmem:$0x1FDF0]  }
0xc1: {  	v34 =	vld [tilespmem:$0x1FE50]  }
0xc2: {  	v25 =	vld [tilespmem:$0x1FE10]  }
0xc3: {  	v27 =	vld [tilespmem:$0x1FE00]  }
0xc4: {  	v29 =	vld [tilespmem:s14+$0xFFFFFFF0];
	v2 =	vadd.f32 v10, v2  }
0xc5: {  	v23 =	vld [tilespmem:$0x1FE40];
	v35 =	vmul.f32 v52, v43;
	v10 =	vadd.f32 v14, v17;
	v12 =	vadd.f32 v13, v12  }
0xc6: {  	v24 =	vld [tilespmem:$0x1FE60];
	[tilespmem:s14+$0x20] =	vst v2;
	v2 =	vmul.f32 v62, v41;
	v15 =	vadd.f32 v15, v50;
	v18 =	vmul.f32 v62, v32  }
0xc7: {  	v26 =	vld [tilespmem:$0x1FE30];
	v11 =	vadd.f32 v16, v11;
	v16 =	vmul.f32 v58, v30;
	v14 =	vmul.f32 v53, v34  }
0xc8: {  	v17 =	vld [tilespmem:s14+$0xFFFFFFE0];
	v20 =	vmul.f32 v58, v28;
	v21 =	vmul.f32 v53, v31;
	v7 =	vadd.f32 v15, v7  }
0xc9: {  	v36 =	vld [tilespmem:$0x1FDE0];
	v13 =	vmul.f32 v59, v25;
	v6 =	vadd.f32 v11, v6;
	v10 =	vadd.f32 v10, v14  }
0xca: {  	v62 =	vld [tilespmem:$0x1FEB0];
	v15 =	vmul.f32 v52, v42;
	v12 =	vadd.f32 v12, v21;
	v4 =	vadd.f32 v4, v20  }
0xcb: {  	v14 =	vmul.f32 v59, v27;
	v16 =	vadd.f32 v63, v16;
	v11 =	vadd.f32 v29, v13;
	v59 =	vld [tilespmem:$0x1FE90]  }
0xcc: {  	v33 =	vmul.f32 v58, v23;
	v63 =	vld [tilespmem:$0x1FEE0];
	v2 =	vadd.f32 v6, v2;
	v10 =	vadd.f32 v10, v15  }
0xcd: {  	v19 =	vmul.f32 v52, v39;
	v29 =	vld [tilespmem:$0x1FF00];
	v12 =	vadd.f32 v12, v35;
	v14 =	vadd.f32 v17, v14  }
0xce: {  	s4 =	sadd.s32 $0x1, s1;
	v15 =	vmul.f32 v58, v26;
	v17 =	vadd.f32 v61, v33;
	v58 =	vld [tilespmem:$0x1FE70];
	v4 =	vadd.f32 v4, v57  }
0xcf: {  	v50 =	vmov s4;
	v35 =	vld [tilespmem:$0x1FEA0];
	[tilespmem:s14+$0xFFFFFFD0] =	vst v12;
	v12 =	vadd.f32 v16, v18;
	v9 =	vadd.f32 v14, v9  }
0xd0: {  	v22 =	vmul.f32 v53, v24;
	v61 =	vld [tilespmem:$0x1FF20];
	v6 =	vadd.f32 v11, v15;
	v14 =	vadd.f32 v17, v60  }
0xd1: {  	v57 =	vld [tilespmem:$0x1FF10];
	[tilespmem:s14+$0xFFFFFFC0] =	vst v10;
	v10 =	vmul.f32 v53, v40;
	v4 =	vadd.f32 v4, v56;
	v8 =	vadd.f32 v12, v8  }
0xd2: {  	v20 =	vmul.f32 v52, v36;
	v33 =	vld [tilespmem:$0x1FFE0];
	v1 =	vadd.f32 v6, v1;
	v6 =	vadd.f32 v7, v51  }
0xd3: {  	v13 =	vmul.f32 v53, v59;
	v2 =	vadd.f32 v2, v10;
	v8 =	vadd.f32 v8, v55;
	v55 =	vld [tilespmem:$0x1FED0]  }
0xd4: {  	s19 =	sadd.s32 $0x100, s19;
	v60 =	vld [tilespmem:$0x1FF30];
	v7 =	vmul.f32 v52, v38;
	v10 =	vand.u32 $0xF, v50;
	v11 =	vmul.f32 v53, v58  }
0xd5: {  	v15 =	vld [tilespmem:s19+$0x20];
	v0 =	vadd.f32 v9, v0;
	v12 =	vmul.f32 v52, v62;
	v10 =	vbroadcast v10, $0x0  }
0xd6: {  	v17 =	vld [tilespmem:s19+$0x60];
	v9 =	vmul.f32 v52, v35;
	v2 =	vadd.f32 v2, v7;
	v1 =	vadd.f32 v1, v11  }
0xd7: {  	v0 =	vadd.f32 v0, v13;
	v7 =	vld [tilespmem:s19+$0x0];
	[tilespmem:s14+$0xFFFFFFA0] =	vst v8;
	v8 =	vmul.f32 v3, v43;
	v3 =	vperm.xlane v61, v10  }
0xd8: {  	v56 =	vld [tilespmem:$0x1FF50];
	v4 =	vadd.f32 v4, v19;
	v1 =	vadd.f32 v1, v9;
	v9 =	vperm.xlane v55, v10  }
0xd9: {  	v0 =	vadd.f32 v0, v12;
	v12 =	vperm.xlane v57, v10;
	v16 =	vmul.f32 v3, v36;
	v36 =	vld [tilespmem:$0x1FFD0]  }
0xda: {  	[tilespmem:s14+$0xFFFFFFF0] =	vst v1;
	v1 =	vadd.f32 v6, v5;
	v6 =	vmul.f32 v9, v63;
	v53 =	vmul.f32 v9, v27;
	v27 =	vld [tilespmem:$0x1FEF0]  }
0xdb: {  	[tilespmem:s14+$0xFFFFFFB0] =	vst v4;
	v11 =	vld [tilespmem:s19+$0x40];
	v13 =	vperm.xlane v60, v10;
	v4 =	vmul.f32 v12, v32  }
0xdc: {  	[tilespmem:s14+$0xFFFFFFE0] =	vst v0;
	v51 =	vmul.f32 v12, v47;
	v0 =	vadd.f32 v7, v6;
	v7 =	vadd.f32 v54, v49;
	v54 =	vld [tilespmem:s19+$0x70]  }
0xdd: {  	v14 =	vadd.f32 v14, v22;
	[tilespmem:s14+$0xFFFFFF90] =	vst v2;
	v5 =	vmul.f32 v13, v31;
	v31 =	vld [tilespmem:$0x1FF60];
	v2 =	vmul.f32 v9, v29  }
0xde: {  	v32 =	vld [tilespmem:$0x1FFB0];
	v1 =	vadd.f32 v1, v8;
	v6 =	vmul.f32 v9, v56;
	v18 =	vmul.f32 v13, v36  }
0xdf: {  	[tilespmem:s14+$0x10] =	vst v7;
	v7 =	vperm.xlane v27, v10;
	v10 =	vadd.f32 v14, v20;
	v14 =	vmul.f32 v9, v25  }
0xe0: {  	v8 =	vadd.f32 v17, v53;
	v2 =	vadd.f32 v15, v2;
	v49 =	vmul.f32 v13, v34;
	v34 =	vld [tilespmem:$0x1FF90]  }
0xe1: {  	v17 =	vmul.f32 v13, v46;
	v25 =	vld [tilespmem:$0x1FF70];
	[tilespmem:s14+$0xFFFFFF80] =	vst v10;
	v10 =	vadd.f32 v54, v14;
	v14 =	vmul.f32 v7, v26  }
0xe2: {  	[tilespmem:s14+$0x50] =	vst v1;
	v50 =	vmul.f32 v9, v31;
	v6 =	vadd.f32 v11, v6;
	v11 =	vmul.f32 v12, v33;
	v1 =	vld [tilespmem:s19+$0x10]  }
0xe3: {  	v15 =	vmul.f32 v7, v32;
	v10 =	vadd.f32 v10, v14;
	v14 =	vmul.f32 v13, v24;
	v24 =	vld [tilespmem:$0x1FFC0]  }
0xe4: {  	v26 =	vld [tilespmem:$0x1FFA0];
	v52 =	vmul.f32 v7, v30;
	v30 =	vmul.f32 v12, v37  }
0xe5: {  	v22 =	vmul.f32 v12, v34;
	v6 =	vadd.f32 v6, v15;
	v15 =	vmul.f32 v7, v23;
	v23 =	vld [tilespmem:$0x1FF40]  }
0xe6: {  	v54 =	vmul.f32 v13, v40;
	v19 =	vmul.f32 v9, v25;
	v10 =	vadd.f32 v10, v30;
	v30 =	vld [tilespmem:$0x1FF80]  }
0xe7: {  	v6 =	vadd.f32 v6, v11;
	v11 =	vmul.f32 v13, v58;
	v0 =	vadd.f32 v0, v15  }
0xe8: {  	v15 =	vmul.f32 v12, v41;
	v58 =	vld [tilespmem:s19+$0x30];
	v1 =	vadd.f32 v1, v19;
	v19 =	vmul.f32 v7, v24  }
0xe9: {  	v13 =	vmul.f32 v13, v59;
	v20 =	vmul.f32 v7, v26;
	v6 =	vadd.f32 v6, v49  }
0xea: {  	v49 =	vmul.f32 v3, v38;
	v10 =	vadd.f32 v10, v11;
	v8 =	vadd.f32 v8, v19  }
0xeb: {  	v9 =	vmul.f32 v9, v23;
	v1 =	vadd.f32 v1, v20;
	v59 =	vmul.f32 v12, v30  }
0xec: {  	v19 =	vmul.f32 v3, v35;
	v35 =	vadd.f32 v2, v52;
	v8 =	vadd.f32 v8, v22  }
0xed: {  	v2 =	vmul.f32 v3, v48;
	v9 =	vadd.f32 v58, v9;
	v0 =	vadd.f32 v0, v59  }
0xee: {  	s2 =	smov.u32 s1;
	v8 =	vadd.f32 v8, v13;
	v13 =	vmul.f32 v3, v62;
	v62 =	vmul.f32 v7, v28  }
0xef: {  	v12 =	vmul.f32 v12, v45;
	v20 =	vadd.f32 v1, v15;
	v28 =	vmov s2  }
0xf0: {  	v0 =	vadd.f32 v0, v14;
	v11 =	vand.u32 $0xF, v28;
	v9 =	vadd.f32 v9, v62  }
0xf1: {  	v7 =	vmul.f32 v7, v44;
	v8 =	vadd.f32 v8, v13;
	v11 =	vbroadcast v11, $0x0  }
0xf2: {  	v13 =	vmul.f32 v3, v42;
	v9 =	vadd.f32 v9, v12;
	v12 =	vmul.f32 v3, v39  }
0xf3: {  	[tilespmem:s19+$0x60] =	vst v8;
	v8 =	vadd.f32 v10, v19;
	v59 =	vperm.xlane v55, v11;
	v58 =	vperm.xlane v27, v11;
	v19 =	vld [tilespmem:s19+$0xFFFFFFA0]  }
0xf4: {  	v0 =	vadd.f32 v0, v16;
	v10 =	vld [tilespmem:s19+$0xFFFFFF80];
	v62 =	vperm.xlane v57, v11;
	v52 =	vperm.xlane v61, v11  }
0xf5: {  	v6 =	vadd.f32 v6, v13;
	v53 =	vperm.xlane v60, v11;
	v13 =	vld [tilespmem:s19+$0xFFFFFFB0];
	[tilespmem:s19+$0x70] =	vst v8;
	v8 =	vmul.f32 v59, v63  }
0xf6: {  	v54 =	vadd.f32 v20, v54;
	[tilespmem:s19+$0x0] =	vst v0;
	v11 =	vmul.f32 v59, v29;
	v55 =	vmul.f32 v52, v48  }
0xf7: {  	v14 =	vld [tilespmem:s19+$0xFFFFFFC0];
	v0 =	vadd.f32 v35, v4;
	[tilespmem:s19+$0x40] =	vst v6;
	v6 =	vmul.f32 v59, v23;
	v35 =	vmul.f32 v59, v31  }
0xf8: {  	v60 =	vmul.f32 v62, v30;
	v1 =	vmul.f32 v62, v37;
	v63 =	vadd.f32 v19, v11;
	v19 =	vld [tilespmem:s19+$0xFFFFFFD0]  }
0xf9: {  	v57 =	vmul.f32 v62, v45;
	v61 =	vadd.f32 v10, v8;
	v8 =	vmul.f32 v59, v56  }
0xfa: {  	p2 =	slt.u32 s1, $0xE;
	v10 =	vadd.f32 v0, v18;
	v11 =	vmul.f32 v59, v25;
	v4 =	vadd.f32 v13, v6  }
.Ltmp1:
0xfb: {  	v6 =	vadd.f32 v9, v17;
	v0 =	vmul.f32 v62, v34;
	v13 =	vmul.f32 v58, v32;
	(pc) =	sbr.rel @p2 .LBB2_6-.Ltmp1, $4  }
0xfc: {  	v56 =	vmul.f32 v53, v46;
	v17 =	vmul.f32 v62, v33;
	v8 =	vadd.f32 v14, v8  }
0xfd: {  	v9 =	vadd.f32 v6, v12;
	v18 =	vadd.f32 v19, v35;
	v19 =	vmul.f32 v58, v44  }
0xfe: {  	s3 =	sadd.s32 $0x2, s1;
	v15 =	vld [tilespmem:s19+$0x50];
	v6 =	vmul.f32 v58, v26;
	v12 =	vmul.f32 v62, v47;
	v14 =	vadd.f32 v8, v13  }
0xff: {  	s1 =	smov.u32 s3;
	s14 =	smov.u32 s19;
	v16 =	vld [tilespmem:s19+$0xFFFFFF90];
	[tilespmem:s19+$0x30] =	vst v9;
	v9 =	vmul.f32 v58, v24;
	v8 =	vmul.f32 v53, v36;
	v13 =	vadd.f32 v18, v19  }
0x100: {  	v25 =	vld [tilespmem:$0x1FE20]  }
0x101: {  	v26 =	vld [tilespmem:$0x1FE80]  }
0x102: {  	v27 =	vld [tilespmem:$0x1FE50]  }
0x103: {  	v19 =	vld [tilespmem:$0x1FDF0]  }
0x104: {  	v28 =	vld [tilespmem:$0x1FEC0]  }
0x105: {  	v2 =	vadd.f32 v10, v2;
	v30 =	vmul.f32 v52, v42;
	v20 =	vld [tilespmem:$0x1FE10]  }
0x106: {  	v14 =	vadd.f32 v14, v17;
	v29 =	vld [tilespmem:s14+$0xFFFFFFF0];
	v32 =	vmul.f32 v52, v43;
	v37 =	vmul.f32 v62, v41  }
0x107: {  	v31 =	vld [tilespmem:$0x1FE00];
	v15 =	vadd.f32 v15, v50;
	v11 =	vadd.f32 v16, v11;
	v16 =	vmul.f32 v58, v26  }
0x108: {  	v18 =	vld [tilespmem:s14+$0xFFFFFFE0];
	v12 =	vadd.f32 v13, v12;
	v17 =	vmul.f32 v53, v27;
	v19 =	vmul.f32 v53, v19  }
0x109: {  	v34 =	vld [tilespmem:$0x1FE40];
	[tilespmem:s14+$0x20] =	vst v2;
	v2 =	vmul.f32 v58, v28;
	v7 =	vadd.f32 v15, v7;
	v6 =	vadd.f32 v11, v6  }
0x10a: {  	v36 =	vld [tilespmem:$0x1FE30];
	v20 =	vmul.f32 v59, v20;
	v14 =	vadd.f32 v14, v17;
	v12 =	vadd.f32 v12, v19  }
0x10b: {  	v42 =	vmul.f32 v53, v40;
	v2 =	vadd.f32 v4, v2;
	v16 =	vadd.f32 v63, v16  }
0x10c: {  	v17 =	vmul.f32 v59, v31;
	v13 =	vadd.f32 v29, v20;
	v7 =	vadd.f32 v7, v51  }
0x10d: {  	v10 =	vmul.f32 v62, v25;
	v6 =	vadd.f32 v6, v37;
	v33 =	vadd.f32 v14, v30  }
0x10e: {  	v44 =	vld [tilespmem:$0x1FE70];
	v14 =	vmul.f32 v58, v34;
	v12 =	vadd.f32 v12, v32;
	v35 =	vadd.f32 v18, v17  }
0x10f: {  	v17 =	vmul.f32 v58, v36;
	v10 =	vadd.f32 v16, v10;
	v2 =	vadd.f32 v2, v57  }
0x110: {  	v46 =	vld [tilespmem:$0x1FEA0];
	v58 =	vadd.f32 v54, v49;
	v6 =	vadd.f32 v6, v42  }
0x111: {  	v45 =	vld [tilespmem:$0x1FE90];
	v47 =	vmul.f32 v52, v38;
	v14 =	vadd.f32 v61, v14;
	v41 =	vadd.f32 v13, v17  }
0x112: {  	v3 =	vmul.f32 v3, v43;
	v51 =	vld [tilespmem:$0x1FE60];
	v9 =	vadd.f32 v35, v9;
	v8 =	vadd.f32 v10, v8  }
0x113: {  	v50 =	vld [tilespmem:$0x1FEB0];
	v15 =	vmul.f32 v53, v44;
	v2 =	vadd.f32 v2, v56;
	v1 =	vadd.f32 v41, v1  }
0x114: {  	v59 =	vld [tilespmem:$0x1FDE0];
	v57 =	vmul.f32 v52, v39;
	[tilespmem:s14+$0xFFFFFFC0] =	vst v33;
	v4 =	vadd.f32 v6, v47;
	v0 =	vadd.f32 v9, v0  }
0x115: {  	[tilespmem:s14+$0xFFFFFFD0] =	vst v12;
	v9 =	vmul.f32 v52, v46;
	v8 =	vadd.f32 v8, v55;
	v1 =	vadd.f32 v1, v15  }
0x116: {  	v10 =	vmul.f32 v53, v45;
	[tilespmem:s14+$0x10] =	vst v58;
	v48 =	vadd.f32 v14, v60;
	v55 =	vadd.f32 v7, v5  }
0x117: {  	s16 =	sadd.s32 $0x1, s16;
	v62 =	vadd.f32 v2, v57;
	[tilespmem:s14+$0xFFFFFF90] =	vst v4;
	v1 =	vadd.f32 v1, v9;
	v9 =	vmul.f32 v53, v51  }
0x118: {  	p2 =	sne.s32 s16, $0x20;
	v12 =	vmul.f32 v52, v50;
	v0 =	vadd.f32 v0, v10;
	[tilespmem:s14+$0xFFFFFFA0] =	vst v8;
	v61 =	vadd.f32 v55, v3  }
.Ltmp2:
0x119: {  	v6 =	vmul.f32 v52, v59;
	[tilespmem:s14+$0xFFFFFFB0] =	vst v62;
	v60 =	vadd.f32 v48, v9;
	(pc) =	sbr.rel @p2 .LBB2_5-.Ltmp2, $4  }
0x11a: {  	v0 =	vadd.f32 v0, v12;
	[tilespmem:s14+$0x50] =	vst v61  }
0x11b: {  	[tilespmem:s14+$0xFFFFFFF0] =	vst v1;
	v63 =	vadd.f32 v60, v6  }
0x11c: {  	[tilespmem:s14+$0xFFFFFFE0] =	vst v0  }
0x11d: {  	s0 =	sadd.s32 $0x800, s0;
	[tilespmem:s14+$0xFFFFFF80] =	vst v63  }
0x11e: {  	s0 =	sshll.u32 s17, $0x4;
	s1 =	rddreg [dreg:$0x4]  }
.Ltmp3:
0x11f: {  	s0 =	sadd.s32 s1, s0;
	(pc) =	sbr.rel @p1 .LBB2_2-.Ltmp3, $4  }
0x120: {  	[hbm4b:s0+s6] =	stream.linear.scatter [tilespmem:s30], [sflag:$0x2], $0x10000, $0x38;
	[tilespmem:$0x13440] =	vst v63  }
0x121: {  	_ =	swait.ge [sflag:s18], $0x10000  }
0x122: {  	[sflag:s18] =	ssyncset.done $0x0;
	v10 =	vld [tilespmem:$0x1FFF0]  }
0x123: {  	p2 =	por $0x0, $0x0;
	v11 =	vimm.f32 $0.0e+00;
	s0 =	simm.s32 $0x200;
	[sflag:s18] =	ssyncadd.s32 $0xFFFF0000  }
0x124: {  	s1 =	rddreg [dreg:$0xb]  }
0x125: {  	s0 =	rddreg [dreg:$0x9];
	s1 =	sadd.s32 $0x1, s1  }
0x126: {  	p1 =	sne.s32 s1, s0  }
.Ltmp4:
0x127: {  	_ = 	snop;
	(pc) =	sbr.rel @p1 .LBB2_1-.Ltmp4, $1  }
0x128: {  	_ =	sdelay $0x3  }
0x129: {  	_ =	sfence.sel $0x180000  }
0x12a: {  	[bflag:$0x0] =	sbarrier.arrive $0xFFFF  }
0x12b: {  	_ =	strace $0x90000047  }
0x12c: {  	[bflag:$0x2] =	sbarrier.arrive $0xFFFF  }
0x12d: {  	s0 =	rddreg [dreg:$0x6]  }
0x12e: {  	s0 =	sadd.s32 @!p0 $0x100000, s0  }
0x12f: {  	[sflag:s0] =	ssyncadd.tile.s32 @!p0 $0x1;
	_ =	shalt  }
.Lfunc_end2:
_tile_overlayer_lowered:
.L_overlay_start_2:
0x130: {  	(tag) =	ssettag $0x2  }
0x131: {  	s0 =	rddreg [dreg:$0x0];
	s2 =	stileid.u32  }
0x132: {  	s1 =	rddreg [dreg:$0x1];
	p0 =	sne.s32 s2, $0x0  }
0x133: {  	s3 =	rddreg [dreg:$0x2];
	[bflag:$0x3] =	sbarrier.arrive $0xFFFF;
	s2 =	simm.s32 @!p0 $0x1C02  }
0x134: {  	[timem:s3], [sflag:s2] =	dma.local @!p0 [hbm:s0], s1  }
0x135: {  	s0 =	simm.s32 @!p0 $0x2  }
0x136: {  	_ =	swait.ge @!p0 [sflag:s0], s1  }
0x137: {  	s1 =	ssub.s32 @!p0 $0x0, s1;
	[sflag:s0] =	ssyncset.done @!p0 $0x0  }
0x138: {  	[sflag:s0] =	ssyncadd.s32 @!p0 s1  }
0x139: {  	[bflag:$0x3] =	sbarrier.arrive $0xFFFF  }
0x13a: {  	_ =	shalt  }

</sc_bundles>
